<compile_context>
chip_gen: v7x
topology: tpu7x:2x2x1
jax: 0.10.2.dev20260603
libtpu: 0.0.44.dev20260713+nightly
codegen_flags: <defaults>
</compile_context>

<pallas_src>
import functools

import jax
import jax.numpy as jnp
from jax import lax
from jax.experimental import pallas as pl
from jax.experimental.pallas import tpu as pltpu
from jax.experimental.pallas import tpu_sc as plsc

N_NODES = 10000
F = 128
E = 320000
EPAD = 331776
IDX_ROWS = EPAD // 128
ROWS_PER_TILE = 81
ACC_N = 10112
ZERO_ROWS = ACC_N // 16
OUT_ROWS = ACC_N // 16

NB = 3
RNDS = ROWS_PER_TILE // NB


@functools.cache
def _prop_kernel():
    mesh = plsc.VectorSubcoreMesh(core_axis_name="c", subcore_axis_name="s",
                                  num_cores=2, num_subcores=16)
    return pl.kernel(
        _prop_body,
        out_type=jax.ShapeDtypeStruct((2, ACC_N, F), jnp.float32),
        mesh=mesh,
        scratch_types=(
            [pltpu.VMEM((128,), jnp.int32)] * (2 * NB)
            + [pltpu.VMEM((128, F), jnp.float32)] * NB
            + [pltpu.VMEM_SHARED((ACC_N, F), jnp.float32)]
            + [pltpu.SemaphoreType.DMA] * (3 * NB)
        ),
    )


def _prop(h, srcp, dstp, zrows):
    return _prop_kernel()(h, srcp, dstp, zrows)


def _prop_body(h_hbm, srcr_hbm, dstr_hbm, zrows_hbm, out_hbm, *rest):
    srcw = rest[0:NB]
    dstw = rest[NB:2 * NB]
    rows = rest[2 * NB:3 * NB]
    acc = rest[3 * NB]
    isems = rest[3 * NB + 1:4 * NB + 1]
    gsems = rest[4 * NB + 1:5 * NB + 1]
    ssems = rest[5 * NB + 1:6 * NB + 1]
    c = lax.axis_index("c")
    s = lax.axis_index("s")
    base_e = (c * 16 + s) * ROWS_PER_TILE * 128
    pltpu.sync_copy(zrows_hbm, acc.at[pl.ds(s * ZERO_ROWS, ZERO_ROWS)])
    plsc.subcore_barrier()

    idummy = srcr_hbm.at[pl.ds(0, 128)]
    rdummy = h_hbm.at[pl.ds(0, 128)]

    def rnd(g, _):
        for b in range(NB):
            @pl.when(g > 0)
            def _():
                pltpu.make_async_copy(rdummy, rows[b], ssems[b]).wait()
            e = base_e + (g * NB + b) * 128
            pltpu.async_copy(srcr_hbm.at[pl.ds(e, 128)], srcw[b], isems[b])
            pltpu.async_copy(dstr_hbm.at[pl.ds(e, 128)], dstw[b], isems[b])
        for b in range(NB):
            pltpu.make_async_copy(idummy, srcw[b], isems[b]).wait()
            pltpu.make_async_copy(idummy, dstw[b], isems[b]).wait()
            pltpu.async_copy(h_hbm.at[srcw[b]], rows[b], gsems[b])
        for b in range(NB):
            pltpu.make_async_copy(rdummy, rows[b], gsems[b]).wait()
            pltpu.async_copy(rows[b], acc.at[dstw[b]], ssems[b], add=True)
        return ()

    lax.fori_loop(0, RNDS, rnd, (), unroll=False)
    for b in range(NB):
        pltpu.make_async_copy(rdummy, rows[b], ssems[b]).wait()
    plsc.subcore_barrier()
    pltpu.sync_copy(acc.at[pl.ds(s * OUT_ROWS, OUT_ROWS)],
                    out_hbm.at[c, pl.ds(s * OUT_ROWS, OUT_ROWS)])


@functools.cache
def _deg_kernel():
    mesh = plsc.VectorSubcoreMesh(core_axis_name="c", subcore_axis_name="s",
                                  num_cores=2, num_subcores=16)
    return pl.kernel(
        _deg_body,
        out_type=jax.ShapeDtypeStruct((2, ACC_N, F), jnp.float32),
        mesh=mesh,
        scratch_types=(
            [pltpu.VMEM((128,), jnp.int32)] * NB
            + [pltpu.VMEM((128, F), jnp.float32)]
            + [pltpu.VMEM_SHARED((ACC_N, F), jnp.float32)]
            + [pltpu.SemaphoreType.DMA] * (2 * NB)
        ),
    )


def _deg(onesrows, dstp, zrows):
    return _deg_kernel()(onesrows, dstp, zrows)


def _deg_body(ones_hbm, dstr_hbm, zrows_hbm, out_hbm, *rest):
    dstw = rest[0:NB]
    ones = rest[NB]
    acc = rest[NB + 1]
    isems = rest[NB + 2:2 * NB + 2]
    ssems = rest[2 * NB + 2:3 * NB + 2]
    c = lax.axis_index("c")
    s = lax.axis_index("s")
    base_e = (c * 16 + s) * ROWS_PER_TILE * 128
    pltpu.sync_copy(ones_hbm, ones)
    pltpu.sync_copy(zrows_hbm, acc.at[pl.ds(s * ZERO_ROWS, ZERO_ROWS)])
    plsc.subcore_barrier()

    idummy = dstr_hbm.at[pl.ds(0, 128)]

    def rnd(g, _):
        for b in range(NB):
            @pl.when(g > 0)
            def _():
                pltpu.make_async_copy(ones_hbm, ones, ssems[b]).wait()
            e = base_e + (g * NB + b) * 128
            pltpu.async_copy(dstr_hbm.at[pl.ds(e, 128)], dstw[b], isems[b])
        for b in range(NB):
            pltpu.make_async_copy(idummy, dstw[b], isems[b]).wait()
            pltpu.async_copy(ones, acc.at[dstw[b]], ssems[b], add=True)
        return ()

    lax.fori_loop(0, RNDS, rnd, (), unroll=False)
    for b in range(NB):
        pltpu.make_async_copy(ones_hbm, ones, ssems[b]).wait()
    plsc.subcore_barrier()
    pltpu.sync_copy(acc.at[pl.ds(s * OUT_ROWS, OUT_ROWS)],
                    out_hbm.at[c, pl.ds(s * OUT_ROWS, OUT_ROWS)])


def _dinv(dega_ref, degb_ref):
    return jax.lax.rsqrt(dega_ref[0, :, 0:1] + degb_ref[0, :, 0:1] + 1.0)


def _k1a(x_ref, w_ref, out_ref):
    out_ref[...] = jnp.dot(x_ref[...], w_ref[...],
                           preferred_element_type=jnp.float32)


def _k1b(h_ref, dega_ref, degb_ref, out_ref):
    out_ref[...] = h_ref[...] * _dinv(dega_ref, degb_ref)


def _k2(pa_ref, pb_ref, h_ref, dega_ref, degb_ref, b_ref, w_ref, out_ref):
    dinv = _dinv(dega_ref, degb_ref)
    g = jnp.maximum((pa_ref[0] + pb_ref[0] + h_ref[...]) * dinv
                    + b_ref[...], 0.0)
    out_ref[...] = jnp.dot(g, w_ref[...],
                           preferred_element_type=jnp.float32) * dinv


def _k3(pa_ref, pb_ref, h_ref, dega_ref, degb_ref, b_ref, w_ref, bfc_ref,
        out_ref):
    dinv = _dinv(dega_ref, degb_ref)
    g = jnp.maximum((pa_ref[0] + pb_ref[0] + h_ref[...]) * dinv
                    + b_ref[...], 0.0)
    out_ref[...] = jnp.dot(g, w_ref[...],
                           preferred_element_type=jnp.float32) + bfc_ref[...]


def _mm1a(x, W1):
    return pl.pallas_call(
        _k1a,
        grid=(10,),
        in_specs=[
            pl.BlockSpec((1000, F), lambda i: (i, 0)),
            pl.BlockSpec((F, F), lambda i: (0, 0)),
        ],
        out_specs=pl.BlockSpec((1000, F), lambda i: (i, 0)),
        out_shape=jax.ShapeDtypeStruct((N_NODES, F), jnp.float32),
    )(x, W1)


def _scale1(h, deg2):
    return pl.pallas_call(
        _k1b,
        grid=(10,),
        in_specs=[
            pl.BlockSpec((1000, F), lambda i: (i, 0)),
            pl.BlockSpec((1, 1000, F), lambda i: (0, i, 0)),
            pl.BlockSpec((1, 1000, F), lambda i: (1, i, 0)),
        ],
        out_specs=pl.BlockSpec((1000, F), lambda i: (i, 0)),
        out_shape=jax.ShapeDtypeStruct((N_NODES, F), jnp.float32),
    )(h, deg2, deg2)


def _mm2(p, h, deg2, b, W2):
    return pl.pallas_call(
        _k2,
        grid=(10,),
        in_specs=[
            pl.BlockSpec((1, 1000, F), lambda i: (0, i, 0)),
            pl.BlockSpec((1, 1000, F), lambda i: (1, i, 0)),
            pl.BlockSpec((1000, F), lambda i: (i, 0)),
            pl.BlockSpec((1, 1000, F), lambda i: (0, i, 0)),
            pl.BlockSpec((1, 1000, F), lambda i: (1, i, 0)),
            pl.BlockSpec((1, F), lambda i: (0, 0)),
            pl.BlockSpec((F, F), lambda i: (0, 0)),
        ],
        out_specs=pl.BlockSpec((1000, F), lambda i: (i, 0)),
        out_shape=jax.ShapeDtypeStruct((N_NODES, F), jnp.float32),
    )(p, p, h, deg2, deg2, b, W2)


def _mm3(p, h, deg2, b, Wfc, bfc):
    return pl.pallas_call(
        _k3,
        grid=(25,),
        in_specs=[
            pl.BlockSpec((1, 400, F), lambda i: (0, i, 0)),
            pl.BlockSpec((1, 400, F), lambda i: (1, i, 0)),
            pl.BlockSpec((400, F), lambda i: (i, 0)),
            pl.BlockSpec((1, 400, F), lambda i: (0, i, 0)),
            pl.BlockSpec((1, 400, F), lambda i: (1, i, 0)),
            pl.BlockSpec((1, F), lambda i: (0, 0)),
            pl.BlockSpec((F, N_NODES), lambda i: (0, 0)),
            pl.BlockSpec((1, N_NODES), lambda i: (0, 0)),
        ],
        out_specs=pl.BlockSpec((400, N_NODES), lambda i: (i, 0)),
        out_shape=jax.ShapeDtypeStruct((N_NODES, N_NODES), jnp.float32),
    )(p, p, h, deg2, deg2, b, Wfc, bfc)


def kernel(x, edge_index, W1, b1, W2, b2, Wfc, bfc):
    src = edge_index[0].astype(jnp.int32)
    dst = edge_index[1].astype(jnp.int32)
    pad = EPAD - E
    srcp = jnp.concatenate(
        [src, jnp.arange(pad, dtype=jnp.int32) % N_NODES])
    dstp = jnp.concatenate(
        [dst, N_NODES + (jnp.arange(pad, dtype=jnp.int32) % (ACC_N - N_NODES))])


    zrows = jnp.zeros((ZERO_ROWS, F), jnp.float32)
    onesrows = jnp.ones((128, F), jnp.float32)

    deg2 = _deg(onesrows, dstp, zrows)
    h1 = _mm1a(x, W1)
    h1p = _scale1(h1, deg2)
    p1 = _prop(h1p, srcp, dstp, zrows)
    h2p = _mm2(p1, h1p, deg2, b1.reshape(1, F), W2)
    p2 = _prop(h2p, srcp, dstp, zrows)
    out = _mm3(p2, h2p, deg2, b2.reshape(1, F), Wfc,
               bfc.reshape(1, N_NODES))
    return out

# --- scband reference (transcript-rebuilt; emitter-appended) ---
"""Pipeline reference for scband-stgnn-52115133170281 (READ-ONLY COPY).

The authoritative reference and input builder live on the scoring server;
editing this copy changes nothing except your own understanding.
"""

import jax, jax.numpy as jnp
import numpy as np

N_NODES = 10000
N_EDGES = 320000
NUM_FEATURES = 128
HIDDEN_DIM = 128
NUM_ROBOTS = 10000


def setup_inputs(seed: int = 0) -> dict:
    key = jax.random.key(seed)
    k = jax.random.split(key, 8)
    x = jax.random.normal(k[0], (N_NODES, NUM_FEATURES), dtype=jnp.float32)
    edge_index = jax.random.randint(k[1], (2, N_EDGES), 0, N_NODES, dtype=jnp.int64)
    # GCNConv weights: PyG lin weight is [out, in], applied as x @ W.T; we store [in, out]
    W1 = jax.random.normal(k[2], (NUM_FEATURES, HIDDEN_DIM), dtype=jnp.float32) * (1.0 / np.sqrt(NUM_FEATURES))
    b1 = jnp.zeros((HIDDEN_DIM,), dtype=jnp.float32)
    W2 = jax.random.normal(k[3], (HIDDEN_DIM, HIDDEN_DIM), dtype=jnp.float32) * (1.0 / np.sqrt(HIDDEN_DIM))
    b2 = jnp.zeros((HIDDEN_DIM,), dtype=jnp.float32)
    Wfc = jax.random.normal(k[4], (HIDDEN_DIM, NUM_ROBOTS), dtype=jnp.float32) * (1.0 / np.sqrt(HIDDEN_DIM))
    bfc = jnp.zeros((NUM_ROBOTS,), dtype=jnp.float32)
    return {"x": x, "edge_index": edge_index, "W1": W1, "b1": b1, "W2": W2, "b2": b2, "Wfc": Wfc, "bfc": bfc}


def _gcn_conv(x, src, dst, W, b, n_nodes):
    # PyG GCNConv semantics: add self-loops, symmetric normalization, lin then propagate
    loop = jnp.arange(n_nodes, dtype=src.dtype)
    src_sl = jnp.concatenate([src, loop])
    dst_sl = jnp.concatenate([dst, loop])
    h = x @ W  # linear transform (no bias inside lin)
    deg = jnp.zeros((n_nodes,), dtype=h.dtype).at[dst_sl].add(1.0)
    dinv = jnp.where(deg > 0, deg ** -0.5, 0.0)
    norm = dinv[src_sl] * dinv[dst_sl]
    msg = h[src_sl] * norm[:, None]  # gather + scale
    out = jnp.zeros((n_nodes, h.shape[1]), dtype=h.dtype).at[dst_sl].add(msg)  # scatter-add
    return out + b


def reference(x, edge_index, W1, b1, W2, b2, Wfc, bfc):
    src, dst = edge_index[0], edge_index[1]
    h = jax.nn.relu(_gcn_conv(x, src, dst, W1, b1, N_NODES))
    h = jax.nn.relu(_gcn_conv(h, src, dst, W2, b2, N_NODES))
    out = h @ Wfc + bfc
    return out

if __name__ == "__main__":
    import jax
    _d = setup_inputs()
    print(jax.jit(kernel)(*tuple(_d.values())))

</pallas_src>

<mosaic_0001>
#map = affine_map<(d0, d1) -> (0, 0)>
#map1 = affine_map<(d0, d1) -> (0)>
#map2 = affine_map<(d0, d1) -> (0, 0, 0)>
module attributes {stable_mosaic.version = 14 : i64} {
  func.func @_prop_body(%arg0: i32, %arg1: i32, %arg2: memref<10000x128xf32, #tpu.memory_space<hbm>>, %arg3: memref<331776xi32, #tpu.memory_space<hbm>>, %arg4: memref<331776xi32, #tpu.memory_space<hbm>>, %arg5: memref<632x128xf32, #tpu.memory_space<hbm>>, %arg6: memref<2x10112x128xf32, #tpu.memory_space<hbm>>, %arg7: memref<128xi32, #tpu.memory_space<vmem>>, %arg8: memref<128xi32, #tpu.memory_space<vmem>>, %arg9: memref<128xi32, #tpu.memory_space<vmem>>, %arg10: memref<128xi32, #tpu.memory_space<vmem>>, %arg11: memref<128xi32, #tpu.memory_space<vmem>>, %arg12: memref<128xi32, #tpu.memory_space<vmem>>, %arg13: memref<128x128xf32, #tpu.memory_space<vmem>>, %arg14: memref<128x128xf32, #tpu.memory_space<vmem>>, %arg15: memref<128x128xf32, #tpu.memory_space<vmem>>, %arg16: memref<10112x128xf32, #tpu.memory_space<vmem_shared>>, %arg17: memref<!tpu.dma_semaphore, #tpu.memory_space<semaphore_mem>>, %arg18: memref<!tpu.dma_semaphore, #tpu.memory_space<semaphore_mem>>, %arg19: memref<!tpu.dma_semaphore, #tpu.memory_space<semaphore_mem>>, %arg20: memref<!tpu.dma_semaphore, #tpu.memory_space<semaphore_mem>>, %arg21: memref<!tpu.dma_semaphore, #tpu.memory_space<semaphore_mem>>, %arg22: memref<!tpu.dma_semaphore, #tpu.memory_space<semaphore_mem>>, %arg23: memref<!tpu.dma_semaphore, #tpu.memory_space<semaphore_mem>>, %arg24: memref<!tpu.dma_semaphore, #tpu.memory_space<semaphore_mem>>, %arg25: memref<!tpu.dma_semaphore, #tpu.memory_space<semaphore_mem>>) attributes {dimension_semantics = [#tpu.dimension_semantics<core_parallel>, #tpu.dimension_semantics<subcore_parallel>], iteration_bounds = array<i64: 2, 16>, scalar_prefetch = 0 : i64, scratch_operands = 19 : i64, tpu.core_type = #tpu.core_type<sc_vector_subcore>, window_params = [{transform_indices = #map}, {transform_indices = #map1}, {transform_indices = #map1}, {transform_indices = #map}, {transform_indices = #map2}]} {
    %mul3A = arith.constant 16 : i32
    %mul3A_0 = arith.muli %arg0, %mul3A : i32
    %add3A = arith.addi %mul3A_0, %arg1 : i32
    %mul3A_1 = arith.constant 81 : i32
    %mul3A_2 = arith.muli %add3A, %mul3A_1 : i32
    %mul3A_3 = arith.constant 128 : i32
    %mul3A_4 = arith.muli %mul3A_2, %mul3A_3 : i32
    %mul3A_5 = arith.constant 632 : i32
    %mul3A_6 = arith.muli %arg1, %mul3A_5 : i32
    "tpu.region"() ({
      %run_scoped3A = tpu.sem_alloc : memref<!tpu.dma_semaphore, #tpu.memory_space<semaphore_mem>>
      %dma_start3A = arith.constant 0 : i32
      %dma_start3A_33 = tpu.memref_slice %arg16[%mul3A_6, %dma_start3A] : memref<10112x128xf32, #tpu.memory_space<vmem_shared>> -> memref<632x128xf32, #tpu.memory_space<vmem_shared>>
      tpu.enqueue_dma source(%arg5 : memref<632x128xf32, #tpu.memory_space<hbm>>) target(%dma_start3A_33 : memref<632x128xf32, #tpu.memory_space<vmem_shared>>) target_semaphore(%run_scoped3A : memref<!tpu.dma_semaphore, #tpu.memory_space<semaphore_mem>>)
      %dma_wait3A_34 = arith.constant 0 : i32
      %dma_wait3A_35 = tpu.memref_slice %arg16[%mul3A_6, %dma_wait3A_34] : memref<10112x128xf32, #tpu.memory_space<vmem_shared>> -> memref<632x128xf32, #tpu.memory_space<vmem_shared>>
      tpu.wait_dma2 semaphore(%run_scoped3A : memref<!tpu.dma_semaphore, #tpu.memory_space<semaphore_mem>>) src(%arg5 : memref<632x128xf32, #tpu.memory_space<hbm>>) dst(%dma_wait3A_35 : memref<632x128xf32, #tpu.memory_space<vmem_shared>>)
      tpu.yield
    }) : () -> ()
    %barrier3A = arith.constant 0 : index
    tpu.barrier barrier_id(%barrier3A)
    %scan3A = arith.constant 0 : i32
    %scan3A_7 = arith.constant 27 : i32
    %scan3A_8 = arith.addi %scan3A, %scan3A_7 : i32
    %scan3A_9 = arith.constant 1 : i32
    scf.for %scan3A_33 = %scan3A to %scan3A_8 step %scan3A_9  : i32 {
      %gt3A = arith.constant 0 : i32
      %gt3A_34 = arith.cmpi sgt, %scan3A_33, %gt3A : i32
      %convert_element_type3A = arith.extui %gt3A_34 : i1 to i32
      %cond3A = arith.constant 0 : i32
      %cond3A_35 = arith.cmpi ne, %convert_element_type3A, %cond3A : i32
      scf.if %cond3A_35 {
        %dma_wait3A_138 = arith.constant 0 : i32
        %dma_wait3A_139 = arith.constant 0 : i32
        %dma_wait3A_140 = tpu.memref_slice %arg2[%dma_wait3A_138, %dma_wait3A_139] : memref<10000x128xf32, #tpu.memory_space<hbm>> -> memref<128x128xf32, #tpu.memory_space<hbm>>
        %dma_wait3A_141 = arith.constant 0 : i32
        %dma_wait3A_142 = arith.constant 0 : i32
        %dma_wait3A_143 = tpu.memref_slice %arg2[%dma_wait3A_141, %dma_wait3A_142] : memref<10000x128xf32, #tpu.memory_space<hbm>> -> memref<128x128xf32, #tpu.memory_space<hbm>>
        tpu.wait_dma2 semaphore(%arg23 : memref<!tpu.dma_semaphore, #tpu.memory_space<semaphore_mem>>) src(%dma_wait3A_143 : memref<128x128xf32, #tpu.memory_space<hbm>>) dst(%arg13 : memref<128x128xf32, #tpu.memory_space<vmem>>)
      } else {
      }
      %mul3A_36 = arith.constant 3 : i32
      %mul3A_37 = arith.muli %scan3A_33, %mul3A_36 : i32
      %add3A_38 = arith.constant 0 : i32
      %add3A_39 = arith.addi %mul3A_37, %add3A_38 : i32
      %mul3A_40 = arith.constant 128 : i32
      %mul3A_41 = arith.muli %add3A_39, %mul3A_40 : i32
      %add3A_42 = arith.addi %mul3A_4, %mul3A_41 : i32
      %dma_start3A = tpu.memref_slice %arg3[%add3A_42] : memref<331776xi32, #tpu.memory_space<hbm>> -> memref<128xi32, #tpu.memory_space<hbm>>
      %dma_start3A_43 = tpu.memref_slice %arg3[%add3A_42] : memref<331776xi32, #tpu.memory_space<hbm>> -> memref<128xi32, #tpu.memory_space<hbm>>
      tpu.enqueue_dma source(%dma_start3A_43 : memref<128xi32, #tpu.memory_space<hbm>>) target(%arg7 : memref<128xi32, #tpu.memory_space<vmem>>) target_semaphore(%arg17 : memref<!tpu.dma_semaphore, #tpu.memory_space<semaphore_mem>>)
      %dma_start3A_44 = tpu.memref_slice %arg4[%add3A_42] : memref<331776xi32, #tpu.memory_space<hbm>> -> memref<128xi32, #tpu.memory_space<hbm>>
      %dma_start3A_45 = tpu.memref_slice %arg4[%add3A_42] : memref<331776xi32, #tpu.memory_space<hbm>> -> memref<128xi32, #tpu.memory_space<hbm>>
      tpu.enqueue_dma source(%dma_start3A_45 : memref<128xi32, #tpu.memory_space<hbm>>) target(%arg10 : memref<128xi32, #tpu.memory_space<vmem>>) target_semaphore(%arg17 : memref<!tpu.dma_semaphore, #tpu.memory_space<semaphore_mem>>)
      %gt3A_46 = arith.constant 0 : i32
      %gt3A_47 = arith.cmpi sgt, %scan3A_33, %gt3A_46 : i32
      %convert_element_type3A_48 = arith.extui %gt3A_47 : i1 to i32
      %cond3A_49 = arith.constant 0 : i32
      %cond3A_50 = arith.cmpi ne, %convert_element_type3A_48, %cond3A_49 : i32
      scf.if %cond3A_50 {
        %dma_wait3A_138 = arith.constant 0 : i32
        %dma_wait3A_139 = arith.constant 0 : i32
        %dma_wait3A_140 = tpu.memref_slice %arg2[%dma_wait3A_138, %dma_wait3A_139] : memref<10000x128xf32, #tpu.memory_space<hbm>> -> memref<128x128xf32, #tpu.memory_space<hbm>>
        %dma_wait3A_141 = arith.constant 0 : i32
        %dma_wait3A_142 = arith.constant 0 : i32
        %dma_wait3A_143 = tpu.memref_slice %arg2[%dma_wait3A_141, %dma_wait3A_142] : memref<10000x128xf32, #tpu.memory_space<hbm>> -> memref<128x128xf32, #tpu.memory_space<hbm>>
        tpu.wait_dma2 semaphore(%arg24 : memref<!tpu.dma_semaphore, #tpu.memory_space<semaphore_mem>>) src(%dma_wait3A_143 : memref<128x128xf32, #tpu.memory_space<hbm>>) dst(%arg14 : memref<128x128xf32, #tpu.memory_space<vmem>>)
      } else {
      }
      %mul3A_51 = arith.constant 3 : i32
      %mul3A_52 = arith.muli %scan3A_33, %mul3A_51 : i32
      %add3A_53 = arith.constant 1 : i32
      %add3A_54 = arith.addi %mul3A_52, %add3A_53 : i32
      %mul3A_55 = arith.constant 128 : i32
      %mul3A_56 = arith.muli %add3A_54, %mul3A_55 : i32
      %add3A_57 = arith.addi %mul3A_4, %mul3A_56 : i32
      %dma_start3A_58 = tpu.memref_slice %arg3[%add3A_57] : memref<331776xi32, #tpu.memory_space<hbm>> -> memref<128xi32, #tpu.memory_space<hbm>>
      %dma_start3A_59 = tpu.memref_slice %arg3[%add3A_57] : memref<331776xi32, #tpu.memory_space<hbm>> -> memref<128xi32, #tpu.memory_space<hbm>>
      tpu.enqueue_dma source(%dma_start3A_59 : memref<128xi32, #tpu.memory_space<hbm>>) target(%arg8 : memref<128xi32, #tpu.memory_space<vmem>>) target_semaphore(%arg18 : memref<!tpu.dma_semaphore, #tpu.memory_space<semaphore_mem>>)
      %dma_start3A_60 = tpu.memref_slice %arg4[%add3A_57] : memref<331776xi32, #tpu.memory_space<hbm>> -> memref<128xi32, #tpu.memory_space<hbm>>
      %dma_start3A_61 = tpu.memref_slice %arg4[%add3A_57] : memref<331776xi32, #tpu.memory_space<hbm>> -> memref<128xi32, #tpu.memory_space<hbm>>
      tpu.enqueue_dma source(%dma_start3A_61 : memref<128xi32, #tpu.memory_space<hbm>>) target(%arg11 : memref<128xi32, #tpu.memory_space<vmem>>) target_semaphore(%arg18 : memref<!tpu.dma_semaphore, #tpu.memory_space<semaphore_mem>>)
      %gt3A_62 = arith.constant 0 : i32
      %gt3A_63 = arith.cmpi sgt, %scan3A_33, %gt3A_62 : i32
      %convert_element_type3A_64 = arith.extui %gt3A_63 : i1 to i32
      %cond3A_65 = arith.constant 0 : i32
      %cond3A_66 = arith.cmpi ne, %convert_element_type3A_64, %cond3A_65 : i32
      scf.if %cond3A_66 {
        %dma_wait3A_138 = arith.constant 0 : i32
        %dma_wait3A_139 = arith.constant 0 : i32
        %dma_wait3A_140 = tpu.memref_slice %arg2[%dma_wait3A_138, %dma_wait3A_139] : memref<10000x128xf32, #tpu.memory_space<hbm>> -> memref<128x128xf32, #tpu.memory_space<hbm>>
        %dma_wait3A_141 = arith.constant 0 : i32
        %dma_wait3A_142 = arith.constant 0 : i32
        %dma_wait3A_143 = tpu.memref_slice %arg2[%dma_wait3A_141, %dma_wait3A_142] : memref<10000x128xf32, #tpu.memory_space<hbm>> -> memref<128x128xf32, #tpu.memory_space<hbm>>
        tpu.wait_dma2 semaphore(%arg25 : memref<!tpu.dma_semaphore, #tpu.memory_space<semaphore_mem>>) src(%dma_wait3A_143 : memref<128x128xf32, #tpu.memory_space<hbm>>) dst(%arg15 : memref<128x128xf32, #tpu.memory_space<vmem>>)
      } else {
      }
      %mul3A_67 = arith.constant 3 : i32
      %mul3A_68 = arith.muli %scan3A_33, %mul3A_67 : i32
      %add3A_69 = arith.constant 2 : i32
      %add3A_70 = arith.addi %mul3A_68, %add3A_69 : i32
      %mul3A_71 = arith.constant 128 : i32
      %mul3A_72 = arith.muli %add3A_70, %mul3A_71 : i32
      %add3A_73 = arith.addi %mul3A_4, %mul3A_72 : i32
      %dma_start3A_74 = tpu.memref_slice %arg3[%add3A_73] : memref<331776xi32, #tpu.memory_space<hbm>> -> memref<128xi32, #tpu.memory_space<hbm>>
      %dma_start3A_75 = tpu.memref_slice %arg3[%add3A_73] : memref<331776xi32, #tpu.memory_space<hbm>> -> memref<128xi32, #tpu.memory_space<hbm>>
      tpu.enqueue_dma source(%dma_start3A_75 : memref<128xi32, #tpu.memory_space<hbm>>) target(%arg9 : memref<128xi32, #tpu.memory_space<vmem>>) target_semaphore(%arg19 : memref<!tpu.dma_semaphore, #tpu.memory_space<semaphore_mem>>)
      %dma_start3A_76 = tpu.memref_slice %arg4[%add3A_73] : memref<331776xi32, #tpu.memory_space<hbm>> -> memref<128xi32, #tpu.memory_space<hbm>>
      %dma_start3A_77 = tpu.memref_slice %arg4[%add3A_73] : memref<331776xi32, #tpu.memory_space<hbm>> -> memref<128xi32, #tpu.memory_space<hbm>>
      tpu.enqueue_dma source(%dma_start3A_77 : memref<128xi32, #tpu.memory_space<hbm>>) target(%arg12 : memref<128xi32, #tpu.memory_space<vmem>>) target_semaphore(%arg19 : memref<!tpu.dma_semaphore, #tpu.memory_space<semaphore_mem>>)
      %dma_wait3A_78 = arith.constant 0 : i32
      %dma_wait3A_79 = tpu.memref_slice %arg3[%dma_wait3A_78] : memref<331776xi32, #tpu.memory_space<hbm>> -> memref<128xi32, #tpu.memory_space<hbm>>
      %dma_wait3A_80 = arith.constant 0 : i32
      %dma_wait3A_81 = tpu.memref_slice %arg3[%dma_wait3A_80] : memref<331776xi32, #tpu.memory_space<hbm>> -> memref<128xi32, #tpu.memory_space<hbm>>
      tpu.wait_dma2 semaphore(%arg17 : memref<!tpu.dma_semaphore, #tpu.memory_space<semaphore_mem>>) src(%dma_wait3A_81 : memref<128xi32, #tpu.memory_space<hbm>>) dst(%arg7 : memref<128xi32, #tpu.memory_space<vmem>>)
      %dma_wait3A_82 = arith.constant 0 : i32
      %dma_wait3A_83 = tpu.memref_slice %arg3[%dma_wait3A_82] : memref<331776xi32, #tpu.memory_space<hbm>> -> memref<128xi32, #tpu.memory_space<hbm>>
      %dma_wait3A_84 = arith.constant 0 : i32
      %dma_wait3A_85 = tpu.memref_slice %arg3[%dma_wait3A_84] : memref<331776xi32, #tpu.memory_space<hbm>> -> memref<128xi32, #tpu.memory_space<hbm>>
      tpu.wait_dma2 semaphore(%arg17 : memref<!tpu.dma_semaphore, #tpu.memory_space<semaphore_mem>>) src(%dma_wait3A_85 : memref<128xi32, #tpu.memory_space<hbm>>) dst(%arg10 : memref<128xi32, #tpu.memory_space<vmem>>)
      %dma_start3A_86 = arith.constant 0 : i32
      %dma_start3A_87 = arith.constant 0 : i32
      %dma_start3A_88 = tpu.memref_slice %arg2[%dma_start3A_86, %dma_start3A_87] : memref<10000x128xf32, #tpu.memory_space<hbm>> -> memref<10000x128xf32, #tpu.memory_space<hbm>>
      tpu.enqueue_indirect_dma source(%dma_start3A_88 : memref<10000x128xf32, #tpu.memory_space<hbm>>) target(%arg13 : memref<128x128xf32, #tpu.memory_space<vmem>>) offsets(%arg7 : memref<128xi32, #tpu.memory_space<vmem>>) semaphore(%arg20 : memref<!tpu.dma_semaphore, #tpu.memory_space<semaphore_mem>>)
      %dma_wait3A_89 = arith.constant 0 : i32
      %dma_wait3A_90 = tpu.memref_slice %arg3[%dma_wait3A_89] : memref<331776xi32, #tpu.memory_space<hbm>> -> memref<128xi32, #tpu.memory_space<hbm>>
      %dma_wait3A_91 = arith.constant 0 : i32
      %dma_wait3A_92 = tpu.memref_slice %arg3[%dma_wait3A_91] : memref<331776xi32, #tpu.memory_space<hbm>> -> memref<128xi32, #tpu.memory_space<hbm>>
      tpu.wait_dma2 semaphore(%arg18 : memref<!tpu.dma_semaphore, #tpu.memory_space<semaphore_mem>>) src(%dma_wait3A_92 : memref<128xi32, #tpu.memory_space<hbm>>) dst(%arg8 : memref<128xi32, #tpu.memory_space<vmem>>)
      %dma_wait3A_93 = arith.constant 0 : i32
      %dma_wait3A_94 = tpu.memref_slice %arg3[%dma_wait3A_93] : memref<331776xi32, #tpu.memory_space<hbm>> -> memref<128xi32, #tpu.memory_space<hbm>>
      %dma_wait3A_95 = arith.constant 0 : i32
      %dma_wait3A_96 = tpu.memref_slice %arg3[%dma_wait3A_95] : memref<331776xi32, #tpu.memory_space<hbm>> -> memref<128xi32, #tpu.memory_space<hbm>>
      tpu.wait_dma2 semaphore(%arg18 : memref<!tpu.dma_semaphore, #tpu.memory_space<semaphore_mem>>) src(%dma_wait3A_96 : memref<128xi32, #tpu.memory_space<hbm>>) dst(%arg11 : memref<128xi32, #tpu.memory_space<vmem>>)
      %dma_start3A_97 = arith.constant 0 : i32
      %dma_start3A_98 = arith.constant 0 : i32
      %dma_start3A_99 = tpu.memref_slice %arg2[%dma_start3A_97, %dma_start3A_98] : memref<10000x128xf32, #tpu.memory_space<hbm>> -> memref<10000x128xf32, #tpu.memory_space<hbm>>
      tpu.enqueue_indirect_dma source(%dma_start3A_99 : memref<10000x128xf32, #tpu.memory_space<hbm>>) target(%arg14 : memref<128x128xf32, #tpu.memory_space<vmem>>) offsets(%arg8 : memref<128xi32, #tpu.memory_space<vmem>>) semaphore(%arg21 : memref<!tpu.dma_semaphore, #tpu.memory_space<semaphore_mem>>)
      %dma_wait3A_100 = arith.constant 0 : i32
      %dma_wait3A_101 = tpu.memref_slice %arg3[%dma_wait3A_100] : memref<331776xi32, #tpu.memory_space<hbm>> -> memref<128xi32, #tpu.memory_space<hbm>>
      %dma_wait3A_102 = arith.constant 0 : i32
      %dma_wait3A_103 = tpu.memref_slice %arg3[%dma_wait3A_102] : memref<331776xi32, #tpu.memory_space<hbm>> -> memref<128xi32, #tpu.memory_space<hbm>>
      tpu.wait_dma2 semaphore(%arg19 : memref<!tpu.dma_semaphore, #tpu.memory_space<semaphore_mem>>) src(%dma_wait3A_103 : memref<128xi32, #tpu.memory_space<hbm>>) dst(%arg9 : memref<128xi32, #tpu.memory_space<vmem>>)
      %dma_wait3A_104 = arith.constant 0 : i32
      %dma_wait3A_105 = tpu.memref_slice %arg3[%dma_wait3A_104] : memref<331776xi32, #tpu.memory_space<hbm>> -> memref<128xi32, #tpu.memory_space<hbm>>
      %dma_wait3A_106 = arith.constant 0 : i32
      %dma_wait3A_107 = tpu.memref_slice %arg3[%dma_wait3A_106] : memref<331776xi32, #tpu.memory_space<hbm>> -> memref<128xi32, #tpu.memory_space<hbm>>
      tpu.wait_dma2 semaphore(%arg19 : memref<!tpu.dma_semaphore, #tpu.memory_space<semaphore_mem>>) src(%dma_wait3A_107 : memref<128xi32, #tpu.memory_space<hbm>>) dst(%arg12 : memref<128xi32, #tpu.memory_space<vmem>>)
      %dma_start3A_108 = arith.constant 0 : i32
      %dma_start3A_109 = arith.constant 0 : i32
      %dma_start3A_110 = tpu.memref_slice %arg2[%dma_start3A_108, %dma_start3A_109] : memref<10000x128xf32, #tpu.memory_space<hbm>> -> memref<10000x128xf32, #tpu.memory_space<hbm>>
      tpu.enqueue_indirect_dma source(%dma_start3A_110 : memref<10000x128xf32, #tpu.memory_space<hbm>>) target(%arg15 : memref<128x128xf32, #tpu.memory_space<vmem>>) offsets(%arg9 : memref<128xi32, #tpu.memory_space<vmem>>) semaphore(%arg22 : memref<!tpu.dma_semaphore, #tpu.memory_space<semaphore_mem>>)
      %dma_wait3A_111 = arith.constant 0 : i32
      %dma_wait3A_112 = arith.constant 0 : i32
      %dma_wait3A_113 = tpu.memref_slice %arg2[%dma_wait3A_111, %dma_wait3A_112] : memref<10000x128xf32, #tpu.memory_space<hbm>> -> memref<128x128xf32, #tpu.memory_space<hbm>>
      %dma_wait3A_114 = arith.constant 0 : i32
      %dma_wait3A_115 = arith.constant 0 : i32
      %dma_wait3A_116 = tpu.memref_slice %arg2[%dma_wait3A_114, %dma_wait3A_115] : memref<10000x128xf32, #tpu.memory_space<hbm>> -> memref<128x128xf32, #tpu.memory_space<hbm>>
      tpu.wait_dma2 semaphore(%arg20 : memref<!tpu.dma_semaphore, #tpu.memory_space<semaphore_mem>>) src(%dma_wait3A_116 : memref<128x128xf32, #tpu.memory_space<hbm>>) dst(%arg13 : memref<128x128xf32, #tpu.memory_space<vmem>>)
      %dma_start3A_117 = arith.constant 0 : i32
      %dma_start3A_118 = arith.constant 0 : i32
      %dma_start3A_119 = tpu.memref_slice %arg16[%dma_start3A_117, %dma_start3A_118] : memref<10112x128xf32, #tpu.memory_space<vmem_shared>> -> memref<10112x128xf32, #tpu.memory_space<vmem_shared>>
      tpu.enqueue_indirect_dma source(%arg13 : memref<128x128xf32, #tpu.memory_space<vmem>>) target(%dma_start3A_119 : memref<10112x128xf32, #tpu.memory_space<vmem_shared>>) offsets(%arg10 : memref<128xi32, #tpu.memory_space<vmem>>) semaphore(%arg23 : memref<!tpu.dma_semaphore, #tpu.memory_space<semaphore_mem>>) {add = true}
      %dma_wait3A_120 = arith.constant 0 : i32
      %dma_wait3A_121 = arith.constant 0 : i32
      %dma_wait3A_122 = tpu.memref_slice %arg2[%dma_wait3A_120, %dma_wait3A_121] : memref<10000x128xf32, #tpu.memory_space<hbm>> -> memref<128x128xf32, #tpu.memory_space<hbm>>
      %dma_wait3A_123 = arith.constant 0 : i32
      %dma_wait3A_124 = arith.constant 0 : i32
      %dma_wait3A_125 = tpu.memref_slice %arg2[%dma_wait3A_123, %dma_wait3A_124] : memref<10000x128xf32, #tpu.memory_space<hbm>> -> memref<128x128xf32, #tpu.memory_space<hbm>>
      tpu.wait_dma2 semaphore(%arg21 : memref<!tpu.dma_semaphore, #tpu.memory_space<semaphore_mem>>) src(%dma_wait3A_125 : memref<128x128xf32, #tpu.memory_space<hbm>>) dst(%arg14 : memref<128x128xf32, #tpu.memory_space<vmem>>)
      %dma_start3A_126 = arith.constant 0 : i32
      %dma_start3A_127 = arith.constant 0 : i32
      %dma_start3A_128 = tpu.memref_slice %arg16[%dma_start3A_126, %dma_start3A_127] : memref<10112x128xf32, #tpu.memory_space<vmem_shared>> -> memref<10112x128xf32, #tpu.memory_space<vmem_shared>>
      tpu.enqueue_indirect_dma source(%arg14 : memref<128x128xf32, #tpu.memory_space<vmem>>) target(%dma_start3A_128 : memref<10112x128xf32, #tpu.memory_space<vmem_shared>>) offsets(%arg11 : memref<128xi32, #tpu.memory_space<vmem>>) semaphore(%arg24 : memref<!tpu.dma_semaphore, #tpu.memory_space<semaphore_mem>>) {add = true}
      %dma_wait3A_129 = arith.constant 0 : i32
      %dma_wait3A_130 = arith.constant 0 : i32
      %dma_wait3A_131 = tpu.memref_slice %arg2[%dma_wait3A_129, %dma_wait3A_130] : memref<10000x128xf32, #tpu.memory_space<hbm>> -> memref<128x128xf32, #tpu.memory_space<hbm>>
      %dma_wait3A_132 = arith.constant 0 : i32
      %dma_wait3A_133 = arith.constant 0 : i32
      %dma_wait3A_134 = tpu.memref_slice %arg2[%dma_wait3A_132, %dma_wait3A_133] : memref<10000x128xf32, #tpu.memory_space<hbm>> -> memref<128x128xf32, #tpu.memory_space<hbm>>
      tpu.wait_dma2 semaphore(%arg22 : memref<!tpu.dma_semaphore, #tpu.memory_space<semaphore_mem>>) src(%dma_wait3A_134 : memref<128x128xf32, #tpu.memory_space<hbm>>) dst(%arg15 : memref<128x128xf32, #tpu.memory_space<vmem>>)
      %dma_start3A_135 = arith.constant 0 : i32
      %dma_start3A_136 = arith.constant 0 : i32
      %dma_start3A_137 = tpu.memref_slice %arg16[%dma_start3A_135, %dma_start3A_136] : memref<10112x128xf32, #tpu.memory_space<vmem_shared>> -> memref<10112x128xf32, #tpu.memory_space<vmem_shared>>
      tpu.enqueue_indirect_dma source(%arg15 : memref<128x128xf32, #tpu.memory_space<vmem>>) target(%dma_start3A_137 : memref<10112x128xf32, #tpu.memory_space<vmem_shared>>) offsets(%arg12 : memref<128xi32, #tpu.memory_space<vmem>>) semaphore(%arg25 : memref<!tpu.dma_semaphore, #tpu.memory_space<semaphore_mem>>) {add = true}
    }
    %scan3A_10 = arith.constant 27 : i32
    %dma_wait3A = arith.constant 0 : i32
    %dma_wait3A_11 = arith.constant 0 : i32
    %dma_wait3A_12 = tpu.memref_slice %arg2[%dma_wait3A, %dma_wait3A_11] : memref<10000x128xf32, #tpu.memory_space<hbm>> -> memref<128x128xf32, #tpu.memory_space<hbm>>
    %dma_wait3A_13 = arith.constant 0 : i32
    %dma_wait3A_14 = arith.constant 0 : i32
    %dma_wait3A_15 = tpu.memref_slice %arg2[%dma_wait3A_13, %dma_wait3A_14] : memref<10000x128xf32, #tpu.memory_space<hbm>> -> memref<128x128xf32, #tpu.memory_space<hbm>>
    tpu.wait_dma2 semaphore(%arg23 : memref<!tpu.dma_semaphore, #tpu.memory_space<semaphore_mem>>) src(%dma_wait3A_15 : memref<128x128xf32, #tpu.memory_space<hbm>>) dst(%arg13 : memref<128x128xf32, #tpu.memory_space<vmem>>)
    %dma_wait3A_16 = arith.constant 0 : i32
    %dma_wait3A_17 = arith.constant 0 : i32
    %dma_wait3A_18 = tpu.memref_slice %arg2[%dma_wait3A_16, %dma_wait3A_17] : memref<10000x128xf32, #tpu.memory_space<hbm>> -> memref<128x128xf32, #tpu.memory_space<hbm>>
    %dma_wait3A_19 = arith.constant 0 : i32
    %dma_wait3A_20 = arith.constant 0 : i32
    %dma_wait3A_21 = tpu.memref_slice %arg2[%dma_wait3A_19, %dma_wait3A_20] : memref<10000x128xf32, #tpu.memory_space<hbm>> -> memref<128x128xf32, #tpu.memory_space<hbm>>
    tpu.wait_dma2 semaphore(%arg24 : memref<!tpu.dma_semaphore, #tpu.memory_space<semaphore_mem>>) src(%dma_wait3A_21 : memref<128x128xf32, #tpu.memory_space<hbm>>) dst(%arg14 : memref<128x128xf32, #tpu.memory_space<vmem>>)
    %dma_wait3A_22 = arith.constant 0 : i32
    %dma_wait3A_23 = arith.constant 0 : i32
    %dma_wait3A_24 = tpu.memref_slice %arg2[%dma_wait3A_22, %dma_wait3A_23] : memref<10000x128xf32, #tpu.memory_space<hbm>> -> memref<128x128xf32, #tpu.memory_space<hbm>>
    %dma_wait3A_25 = arith.constant 0 : i32
    %dma_wait3A_26 = arith.constant 0 : i32
    %dma_wait3A_27 = tpu.memref_slice %arg2[%dma_wait3A_25, %dma_wait3A_26] : memref<10000x128xf32, #tpu.memory_space<hbm>> -> memref<128x128xf32, #tpu.memory_space<hbm>>
    tpu.wait_dma2 semaphore(%arg25 : memref<!tpu.dma_semaphore, #tpu.memory_space<semaphore_mem>>) src(%dma_wait3A_27 : memref<128x128xf32, #tpu.memory_space<hbm>>) dst(%arg15 : memref<128x128xf32, #tpu.memory_space<vmem>>)
    %barrier3A_28 = arith.constant 0 : index
    tpu.barrier barrier_id(%barrier3A_28)
    %mul3A_29 = arith.constant 632 : i32
    %mul3A_30 = arith.muli %arg1, %mul3A_29 : i32
    %mul3A_31 = arith.constant 632 : i32
    %mul3A_32 = arith.muli %arg1, %mul3A_31 : i32
    "tpu.region"() ({
      %run_scoped3A = tpu.sem_alloc : memref<!tpu.dma_semaphore, #tpu.memory_space<semaphore_mem>>
      %dma_start3A = arith.constant 0 : i32
      %dma_start3A_33 = tpu.memref_slice %arg6[%arg0, %mul3A_32, %dma_start3A] : memref<2x10112x128xf32, #tpu.memory_space<hbm>> -> memref<1x632x128xf32, #tpu.memory_space<hbm>>
      %dma_start3A_34 = tpu.memref_squeeze %dma_start3A_33 : memref<1x632x128xf32, #tpu.memory_space<hbm>> -> memref<632x128xf32, #tpu.memory_space<hbm>>
      %dma_start3A_35 = arith.constant 0 : i32
      %dma_start3A_36 = tpu.memref_slice %arg16[%mul3A_30, %dma_start3A_35] : memref<10112x128xf32, #tpu.memory_space<vmem_shared>> -> memref<632x128xf32, #tpu.memory_space<vmem_shared>>
      tpu.enqueue_dma source(%dma_start3A_36 : memref<632x128xf32, #tpu.memory_space<vmem_shared>>) target(%dma_start3A_34 : memref<632x128xf32, #tpu.memory_space<hbm>>) target_semaphore(%run_scoped3A : memref<!tpu.dma_semaphore, #tpu.memory_space<semaphore_mem>>)
      %dma_wait3A_37 = arith.constant 0 : i32
      %dma_wait3A_38 = tpu.memref_slice %arg6[%arg0, %mul3A_32, %dma_wait3A_37] : memref<2x10112x128xf32, #tpu.memory_space<hbm>> -> memref<1x632x128xf32, #tpu.memory_space<hbm>>
      %dma_wait3A_39 = tpu.memref_squeeze %dma_wait3A_38 : memref<1x632x128xf32, #tpu.memory_space<hbm>> -> memref<632x128xf32, #tpu.memory_space<hbm>>
      %dma_wait3A_40 = arith.constant 0 : i32
      %dma_wait3A_41 = tpu.memref_slice %arg16[%mul3A_30, %dma_wait3A_40] : memref<10112x128xf32, #tpu.memory_space<vmem_shared>> -> memref<632x128xf32, #tpu.memory_space<vmem_shared>>
      tpu.wait_dma2 semaphore(%run_scoped3A : memref<!tpu.dma_semaphore, #tpu.memory_space<semaphore_mem>>) src(%dma_wait3A_41 : memref<632x128xf32, #tpu.memory_space<vmem_shared>>) dst(%dma_wait3A_39 : memref<632x128xf32, #tpu.memory_space<hbm>>)
      tpu.yield
    }) : () -> ()
    return
  }
}

#map = affine_map<(d0, d1) -> (0, 0)>
#map1 = affine_map<(d0, d1) -> (0)>
#map2 = affine_map<(d0, d1) -> (0, 0, 0)>
module attributes {stable_mosaic.version = 14 : i64} {
  func.func @_deg_body(%arg0: i32, %arg1: i32, %arg2: memref<128x128xf32, #tpu.memory_space<hbm>>, %arg3: memref<331776xi32, #tpu.memory_space<hbm>>, %arg4: memref<632x128xf32, #tpu.memory_space<hbm>>, %arg5: memref<2x10112x128xf32, #tpu.memory_space<hbm>>, %arg6: memref<128xi32, #tpu.memory_space<vmem>>, %arg7: memref<128xi32, #tpu.memory_space<vmem>>, %arg8: memref<128xi32, #tpu.memory_space<vmem>>, %arg9: memref<128x128xf32, #tpu.memory_space<vmem>>, %arg10: memref<10112x128xf32, #tpu.memory_space<vmem_shared>>, %arg11: memref<!tpu.dma_semaphore, #tpu.memory_space<semaphore_mem>>, %arg12: memref<!tpu.dma_semaphore, #tpu.memory_space<semaphore_mem>>, %arg13: memref<!tpu.dma_semaphore, #tpu.memory_space<semaphore_mem>>, %arg14: memref<!tpu.dma_semaphore, #tpu.memory_space<semaphore_mem>>, %arg15: memref<!tpu.dma_semaphore, #tpu.memory_space<semaphore_mem>>, %arg16: memref<!tpu.dma_semaphore, #tpu.memory_space<semaphore_mem>>) attributes {dimension_semantics = [#tpu.dimension_semantics<core_parallel>, #tpu.dimension_semantics<subcore_parallel>], iteration_bounds = array<i64: 2, 16>, scalar_prefetch = 0 : i64, scratch_operands = 11 : i64, tpu.core_type = #tpu.core_type<sc_vector_subcore>, window_params = [{transform_indices = #map}, {transform_indices = #map1}, {transform_indices = #map}, {transform_indices = #map2}]} {
    %mul3A = arith.constant 16 : i32
    %mul3A_0 = arith.muli %arg0, %mul3A : i32
    %add3A = arith.addi %mul3A_0, %arg1 : i32
    %mul3A_1 = arith.constant 81 : i32
    %mul3A_2 = arith.muli %add3A, %mul3A_1 : i32
    %mul3A_3 = arith.constant 128 : i32
    %mul3A_4 = arith.muli %mul3A_2, %mul3A_3 : i32
    "tpu.region"() ({
      %run_scoped3A = tpu.sem_alloc : memref<!tpu.dma_semaphore, #tpu.memory_space<semaphore_mem>>
      tpu.enqueue_dma source(%arg2 : memref<128x128xf32, #tpu.memory_space<hbm>>) target(%arg9 : memref<128x128xf32, #tpu.memory_space<vmem>>) target_semaphore(%run_scoped3A : memref<!tpu.dma_semaphore, #tpu.memory_space<semaphore_mem>>)
      tpu.wait_dma2 semaphore(%run_scoped3A : memref<!tpu.dma_semaphore, #tpu.memory_space<semaphore_mem>>) src(%arg2 : memref<128x128xf32, #tpu.memory_space<hbm>>) dst(%arg9 : memref<128x128xf32, #tpu.memory_space<vmem>>)
      tpu.yield
    }) : () -> ()
    %mul3A_5 = arith.constant 632 : i32
    %mul3A_6 = arith.muli %arg1, %mul3A_5 : i32
    "tpu.region"() ({
      %run_scoped3A = tpu.sem_alloc : memref<!tpu.dma_semaphore, #tpu.memory_space<semaphore_mem>>
      %dma_start3A = arith.constant 0 : i32
      %dma_start3A_16 = tpu.memref_slice %arg10[%mul3A_6, %dma_start3A] : memref<10112x128xf32, #tpu.memory_space<vmem_shared>> -> memref<632x128xf32, #tpu.memory_space<vmem_shared>>
      tpu.enqueue_dma source(%arg4 : memref<632x128xf32, #tpu.memory_space<hbm>>) target(%dma_start3A_16 : memref<632x128xf32, #tpu.memory_space<vmem_shared>>) target_semaphore(%run_scoped3A : memref<!tpu.dma_semaphore, #tpu.memory_space<semaphore_mem>>)
      %dma_wait3A = arith.constant 0 : i32
      %dma_wait3A_17 = tpu.memref_slice %arg10[%mul3A_6, %dma_wait3A] : memref<10112x128xf32, #tpu.memory_space<vmem_shared>> -> memref<632x128xf32, #tpu.memory_space<vmem_shared>>
      tpu.wait_dma2 semaphore(%run_scoped3A : memref<!tpu.dma_semaphore, #tpu.memory_space<semaphore_mem>>) src(%arg4 : memref<632x128xf32, #tpu.memory_space<hbm>>) dst(%dma_wait3A_17 : memref<632x128xf32, #tpu.memory_space<vmem_shared>>)
      tpu.yield
    }) : () -> ()
    %barrier3A = arith.constant 0 : index
    tpu.barrier barrier_id(%barrier3A)
    %scan3A = arith.constant 0 : i32
    %scan3A_7 = arith.constant 27 : i32
    %scan3A_8 = arith.addi %scan3A, %scan3A_7 : i32
    %scan3A_9 = arith.constant 1 : i32
    scf.for %scan3A_16 = %scan3A to %scan3A_8 step %scan3A_9  : i32 {
      %gt3A = arith.constant 0 : i32
      %gt3A_17 = arith.cmpi sgt, %scan3A_16, %gt3A : i32
      %convert_element_type3A = arith.extui %gt3A_17 : i1 to i32
      %cond3A = arith.constant 0 : i32
      %cond3A_18 = arith.cmpi ne, %convert_element_type3A, %cond3A : i32
      scf.if %cond3A_18 {
        tpu.wait_dma2 semaphore(%arg14 : memref<!tpu.dma_semaphore, #tpu.memory_space<semaphore_mem>>) src(%arg2 : memref<128x128xf32, #tpu.memory_space<hbm>>) dst(%arg9 : memref<128x128xf32, #tpu.memory_space<vmem>>)
      } else {
      }
      %mul3A_19 = arith.constant 3 : i32
      %mul3A_20 = arith.muli %scan3A_16, %mul3A_19 : i32
      %add3A_21 = arith.constant 0 : i32
      %add3A_22 = arith.addi %mul3A_20, %add3A_21 : i32
      %mul3A_23 = arith.constant 128 : i32
      %mul3A_24 = arith.muli %add3A_22, %mul3A_23 : i32
      %add3A_25 = arith.addi %mul3A_4, %mul3A_24 : i32
      %dma_start3A = tpu.memref_slice %arg3[%add3A_25] : memref<331776xi32, #tpu.memory_space<hbm>> -> memref<128xi32, #tpu.memory_space<hbm>>
      %dma_start3A_26 = tpu.memref_slice %arg3[%add3A_25] : memref<331776xi32, #tpu.memory_space<hbm>> -> memref<128xi32, #tpu.memory_space<hbm>>
      tpu.enqueue_dma source(%dma_start3A_26 : memref<128xi32, #tpu.memory_space<hbm>>) target(%arg6 : memref<128xi32, #tpu.memory_space<vmem>>) target_semaphore(%arg11 : memref<!tpu.dma_semaphore, #tpu.memory_space<semaphore_mem>>)
      %gt3A_27 = arith.constant 0 : i32
      %gt3A_28 = arith.cmpi sgt, %scan3A_16, %gt3A_27 : i32
      %convert_element_type3A_29 = arith.extui %gt3A_28 : i1 to i32
      %cond3A_30 = arith.constant 0 : i32
      %cond3A_31 = arith.cmpi ne, %convert_element_type3A_29, %cond3A_30 : i32
      scf.if %cond3A_31 {
        tpu.wait_dma2 semaphore(%arg15 : memref<!tpu.dma_semaphore, #tpu.memory_space<semaphore_mem>>) src(%arg2 : memref<128x128xf32, #tpu.memory_space<hbm>>) dst(%arg9 : memref<128x128xf32, #tpu.memory_space<vmem>>)
      } else {
      }
      %mul3A_32 = arith.constant 3 : i32
      %mul3A_33 = arith.muli %scan3A_16, %mul3A_32 : i32
      %add3A_34 = arith.constant 1 : i32
      %add3A_35 = arith.addi %mul3A_33, %add3A_34 : i32
      %mul3A_36 = arith.constant 128 : i32
      %mul3A_37 = arith.muli %add3A_35, %mul3A_36 : i32
      %add3A_38 = arith.addi %mul3A_4, %mul3A_37 : i32
      %dma_start3A_39 = tpu.memref_slice %arg3[%add3A_38] : memref<331776xi32, #tpu.memory_space<hbm>> -> memref<128xi32, #tpu.memory_space<hbm>>
      %dma_start3A_40 = tpu.memref_slice %arg3[%add3A_38] : memref<331776xi32, #tpu.memory_space<hbm>> -> memref<128xi32, #tpu.memory_space<hbm>>
      tpu.enqueue_dma source(%dma_start3A_40 : memref<128xi32, #tpu.memory_space<hbm>>) target(%arg7 : memref<128xi32, #tpu.memory_space<vmem>>) target_semaphore(%arg12 : memref<!tpu.dma_semaphore, #tpu.memory_space<semaphore_mem>>)
      %gt3A_41 = arith.constant 0 : i32
      %gt3A_42 = arith.cmpi sgt, %scan3A_16, %gt3A_41 : i32
      %convert_element_type3A_43 = arith.extui %gt3A_42 : i1 to i32
      %cond3A_44 = arith.constant 0 : i32
      %cond3A_45 = arith.cmpi ne, %convert_element_type3A_43, %cond3A_44 : i32
      scf.if %cond3A_45 {
        tpu.wait_dma2 semaphore(%arg16 : memref<!tpu.dma_semaphore, #tpu.memory_space<semaphore_mem>>) src(%arg2 : memref<128x128xf32, #tpu.memory_space<hbm>>) dst(%arg9 : memref<128x128xf32, #tpu.memory_space<vmem>>)
      } else {
      }
      %mul3A_46 = arith.constant 3 : i32
      %mul3A_47 = arith.muli %scan3A_16, %mul3A_46 : i32
      %add3A_48 = arith.constant 2 : i32
      %add3A_49 = arith.addi %mul3A_47, %add3A_48 : i32
      %mul3A_50 = arith.constant 128 : i32
      %mul3A_51 = arith.muli %add3A_49, %mul3A_50 : i32
      %add3A_52 = arith.addi %mul3A_4, %mul3A_51 : i32
      %dma_start3A_53 = tpu.memref_slice %arg3[%add3A_52] : memref<331776xi32, #tpu.memory_space<hbm>> -> memref<128xi32, #tpu.memory_space<hbm>>
      %dma_start3A_54 = tpu.memref_slice %arg3[%add3A_52] : memref<331776xi32, #tpu.memory_space<hbm>> -> memref<128xi32, #tpu.memory_space<hbm>>
      tpu.enqueue_dma source(%dma_start3A_54 : memref<128xi32, #tpu.memory_space<hbm>>) target(%arg8 : memref<128xi32, #tpu.memory_space<vmem>>) target_semaphore(%arg13 : memref<!tpu.dma_semaphore, #tpu.memory_space<semaphore_mem>>)
      %dma_wait3A = arith.constant 0 : i32
      %dma_wait3A_55 = tpu.memref_slice %arg3[%dma_wait3A] : memref<331776xi32, #tpu.memory_space<hbm>> -> memref<128xi32, #tpu.memory_space<hbm>>
      %dma_wait3A_56 = arith.constant 0 : i32
      %dma_wait3A_57 = tpu.memref_slice %arg3[%dma_wait3A_56] : memref<331776xi32, #tpu.memory_space<hbm>> -> memref<128xi32, #tpu.memory_space<hbm>>
      tpu.wait_dma2 semaphore(%arg11 : memref<!tpu.dma_semaphore, #tpu.memory_space<semaphore_mem>>) src(%dma_wait3A_57 : memref<128xi32, #tpu.memory_space<hbm>>) dst(%arg6 : memref<128xi32, #tpu.memory_space<vmem>>)
      %dma_start3A_58 = arith.constant 0 : i32
      %dma_start3A_59 = arith.constant 0 : i32
      %dma_start3A_60 = tpu.memref_slice %arg10[%dma_start3A_58, %dma_start3A_59] : memref<10112x128xf32, #tpu.memory_space<vmem_shared>> -> memref<10112x128xf32, #tpu.memory_space<vmem_shared>>
      tpu.enqueue_indirect_dma source(%arg9 : memref<128x128xf32, #tpu.memory_space<vmem>>) target(%dma_start3A_60 : memref<10112x128xf32, #tpu.memory_space<vmem_shared>>) offsets(%arg6 : memref<128xi32, #tpu.memory_space<vmem>>) semaphore(%arg14 : memref<!tpu.dma_semaphore, #tpu.memory_space<semaphore_mem>>) {add = true}
      %dma_wait3A_61 = arith.constant 0 : i32
      %dma_wait3A_62 = tpu.memref_slice %arg3[%dma_wait3A_61] : memref<331776xi32, #tpu.memory_space<hbm>> -> memref<128xi32, #tpu.memory_space<hbm>>
      %dma_wait3A_63 = arith.constant 0 : i32
      %dma_wait3A_64 = tpu.memref_slice %arg3[%dma_wait3A_63] : memref<331776xi32, #tpu.memory_space<hbm>> -> memref<128xi32, #tpu.memory_space<hbm>>
      tpu.wait_dma2 semaphore(%arg12 : memref<!tpu.dma_semaphore, #tpu.memory_space<semaphore_mem>>) src(%dma_wait3A_64 : memref<128xi32, #tpu.memory_space<hbm>>) dst(%arg7 : memref<128xi32, #tpu.memory_space<vmem>>)
      %dma_start3A_65 = arith.constant 0 : i32
      %dma_start3A_66 = arith.constant 0 : i32
      %dma_start3A_67 = tpu.memref_slice %arg10[%dma_start3A_65, %dma_start3A_66] : memref<10112x128xf32, #tpu.memory_space<vmem_shared>> -> memref<10112x128xf32, #tpu.memory_space<vmem_shared>>
      tpu.enqueue_indirect_dma source(%arg9 : memref<128x128xf32, #tpu.memory_space<vmem>>) target(%dma_start3A_67 : memref<10112x128xf32, #tpu.memory_space<vmem_shared>>) offsets(%arg7 : memref<128xi32, #tpu.memory_space<vmem>>) semaphore(%arg15 : memref<!tpu.dma_semaphore, #tpu.memory_space<semaphore_mem>>) {add = true}
      %dma_wait3A_68 = arith.constant 0 : i32
      %dma_wait3A_69 = tpu.memref_slice %arg3[%dma_wait3A_68] : memref<331776xi32, #tpu.memory_space<hbm>> -> memref<128xi32, #tpu.memory_space<hbm>>
      %dma_wait3A_70 = arith.constant 0 : i32
      %dma_wait3A_71 = tpu.memref_slice %arg3[%dma_wait3A_70] : memref<331776xi32, #tpu.memory_space<hbm>> -> memref<128xi32, #tpu.memory_space<hbm>>
      tpu.wait_dma2 semaphore(%arg13 : memref<!tpu.dma_semaphore, #tpu.memory_space<semaphore_mem>>) src(%dma_wait3A_71 : memref<128xi32, #tpu.memory_space<hbm>>) dst(%arg8 : memref<128xi32, #tpu.memory_space<vmem>>)
      %dma_start3A_72 = arith.constant 0 : i32
      %dma_start3A_73 = arith.constant 0 : i32
      %dma_start3A_74 = tpu.memref_slice %arg10[%dma_start3A_72, %dma_start3A_73] : memref<10112x128xf32, #tpu.memory_space<vmem_shared>> -> memref<10112x128xf32, #tpu.memory_space<vmem_shared>>
      tpu.enqueue_indirect_dma source(%arg9 : memref<128x128xf32, #tpu.memory_space<vmem>>) target(%dma_start3A_74 : memref<10112x128xf32, #tpu.memory_space<vmem_shared>>) offsets(%arg8 : memref<128xi32, #tpu.memory_space<vmem>>) semaphore(%arg16 : memref<!tpu.dma_semaphore, #tpu.memory_space<semaphore_mem>>) {add = true}
    }
    %scan3A_10 = arith.constant 27 : i32
    tpu.wait_dma2 semaphore(%arg14 : memref<!tpu.dma_semaphore, #tpu.memory_space<semaphore_mem>>) src(%arg2 : memref<128x128xf32, #tpu.memory_space<hbm>>) dst(%arg9 : memref<128x128xf32, #tpu.memory_space<vmem>>)
    tpu.wait_dma2 semaphore(%arg15 : memref<!tpu.dma_semaphore, #tpu.memory_space<semaphore_mem>>) src(%arg2 : memref<128x128xf32, #tpu.memory_space<hbm>>) dst(%arg9 : memref<128x128xf32, #tpu.memory_space<vmem>>)
    tpu.wait_dma2 semaphore(%arg16 : memref<!tpu.dma_semaphore, #tpu.memory_space<semaphore_mem>>) src(%arg2 : memref<128x128xf32, #tpu.memory_space<hbm>>) dst(%arg9 : memref<128x128xf32, #tpu.memory_space<vmem>>)
    %barrier3A_11 = arith.constant 0 : index
    tpu.barrier barrier_id(%barrier3A_11)
    %mul3A_12 = arith.constant 632 : i32
    %mul3A_13 = arith.muli %arg1, %mul3A_12 : i32
    %mul3A_14 = arith.constant 632 : i32
    %mul3A_15 = arith.muli %arg1, %mul3A_14 : i32
    "tpu.region"() ({
      %run_scoped3A = tpu.sem_alloc : memref<!tpu.dma_semaphore, #tpu.memory_space<semaphore_mem>>
      %dma_start3A = arith.constant 0 : i32
      %dma_start3A_16 = tpu.memref_slice %arg5[%arg0, %mul3A_15, %dma_start3A] : memref<2x10112x128xf32, #tpu.memory_space<hbm>> -> memref<1x632x128xf32, #tpu.memory_space<hbm>>
      %dma_start3A_17 = tpu.memref_squeeze %dma_start3A_16 : memref<1x632x128xf32, #tpu.memory_space<hbm>> -> memref<632x128xf32, #tpu.memory_space<hbm>>
      %dma_start3A_18 = arith.constant 0 : i32
      %dma_start3A_19 = tpu.memref_slice %arg10[%mul3A_13, %dma_start3A_18] : memref<10112x128xf32, #tpu.memory_space<vmem_shared>> -> memref<632x128xf32, #tpu.memory_space<vmem_shared>>
      tpu.enqueue_dma source(%dma_start3A_19 : memref<632x128xf32, #tpu.memory_space<vmem_shared>>) target(%dma_start3A_17 : memref<632x128xf32, #tpu.memory_space<hbm>>) target_semaphore(%run_scoped3A : memref<!tpu.dma_semaphore, #tpu.memory_space<semaphore_mem>>)
      %dma_wait3A = arith.constant 0 : i32
      %dma_wait3A_20 = tpu.memref_slice %arg5[%arg0, %mul3A_15, %dma_wait3A] : memref<2x10112x128xf32, #tpu.memory_space<hbm>> -> memref<1x632x128xf32, #tpu.memory_space<hbm>>
      %dma_wait3A_21 = tpu.memref_squeeze %dma_wait3A_20 : memref<1x632x128xf32, #tpu.memory_space<hbm>> -> memref<632x128xf32, #tpu.memory_space<hbm>>
      %dma_wait3A_22 = arith.constant 0 : i32
      %dma_wait3A_23 = tpu.memref_slice %arg10[%mul3A_13, %dma_wait3A_22] : memref<10112x128xf32, #tpu.memory_space<vmem_shared>> -> memref<632x128xf32, #tpu.memory_space<vmem_shared>>
      tpu.wait_dma2 semaphore(%run_scoped3A : memref<!tpu.dma_semaphore, #tpu.memory_space<semaphore_mem>>) src(%dma_wait3A_23 : memref<632x128xf32, #tpu.memory_space<vmem_shared>>) dst(%dma_wait3A_21 : memref<632x128xf32, #tpu.memory_space<hbm>>)
      tpu.yield
    }) : () -> ()
    return
  }
}

#map = affine_map<(d0, d1) -> (0, 0)>
#map1 = affine_map<(d0, d1) -> (0)>
#map2 = affine_map<(d0, d1) -> (0, 0, 0)>
module attributes {stable_mosaic.version = 14 : i64} {
  func.func @_prop_body(%arg0: i32, %arg1: i32, %arg2: memref<10000x128xf32, #tpu.memory_space<hbm>>, %arg3: memref<331776xi32, #tpu.memory_space<hbm>>, %arg4: memref<331776xi32, #tpu.memory_space<hbm>>, %arg5: memref<632x128xf32, #tpu.memory_space<hbm>>, %arg6: memref<2x10112x128xf32, #tpu.memory_space<hbm>>, %arg7: memref<128xi32, #tpu.memory_space<vmem>>, %arg8: memref<128xi32, #tpu.memory_space<vmem>>, %arg9: memref<128xi32, #tpu.memory_space<vmem>>, %arg10: memref<128xi32, #tpu.memory_space<vmem>>, %arg11: memref<128xi32, #tpu.memory_space<vmem>>, %arg12: memref<128xi32, #tpu.memory_space<vmem>>, %arg13: memref<128x128xf32, #tpu.memory_space<vmem>>, %arg14: memref<128x128xf32, #tpu.memory_space<vmem>>, %arg15: memref<128x128xf32, #tpu.memory_space<vmem>>, %arg16: memref<10112x128xf32, #tpu.memory_space<vmem_shared>>, %arg17: memref<!tpu.dma_semaphore, #tpu.memory_space<semaphore_mem>>, %arg18: memref<!tpu.dma_semaphore, #tpu.memory_space<semaphore_mem>>, %arg19: memref<!tpu.dma_semaphore, #tpu.memory_space<semaphore_mem>>, %arg20: memref<!tpu.dma_semaphore, #tpu.memory_space<semaphore_mem>>, %arg21: memref<!tpu.dma_semaphore, #tpu.memory_space<semaphore_mem>>, %arg22: memref<!tpu.dma_semaphore, #tpu.memory_space<semaphore_mem>>, %arg23: memref<!tpu.dma_semaphore, #tpu.memory_space<semaphore_mem>>, %arg24: memref<!tpu.dma_semaphore, #tpu.memory_space<semaphore_mem>>, %arg25: memref<!tpu.dma_semaphore, #tpu.memory_space<semaphore_mem>>) attributes {dimension_semantics = [#tpu.dimension_semantics<core_parallel>, #tpu.dimension_semantics<subcore_parallel>], iteration_bounds = array<i64: 2, 16>, scalar_prefetch = 0 : i64, scratch_operands = 19 : i64, tpu.core_type = #tpu.core_type<sc_vector_subcore>, window_params = [{transform_indices = #map}, {transform_indices = #map1}, {transform_indices = #map1}, {transform_indices = #map}, {transform_indices = #map2}]} {
    %mul3A = arith.constant 16 : i32
    %mul3A_0 = arith.muli %arg0, %mul3A : i32
    %add3A = arith.addi %mul3A_0, %arg1 : i32
    %mul3A_1 = arith.constant 81 : i32
    %mul3A_2 = arith.muli %add3A, %mul3A_1 : i32
    %mul3A_3 = arith.constant 128 : i32
    %mul3A_4 = arith.muli %mul3A_2, %mul3A_3 : i32
    %mul3A_5 = arith.constant 632 : i32
    %mul3A_6 = arith.muli %arg1, %mul3A_5 : i32
    "tpu.region"() ({
      %run_scoped3A = tpu.sem_alloc : memref<!tpu.dma_semaphore, #tpu.memory_space<semaphore_mem>>
      %dma_start3A = arith.constant 0 : i32
      %dma_start3A_33 = tpu.memref_slice %arg16[%mul3A_6, %dma_start3A] : memref<10112x128xf32, #tpu.memory_space<vmem_shared>> -> memref<632x128xf32, #tpu.memory_space<vmem_shared>>
      tpu.enqueue_dma source(%arg5 : memref<632x128xf32, #tpu.memory_space<hbm>>) target(%dma_start3A_33 : memref<632x128xf32, #tpu.memory_space<vmem_shared>>) target_semaphore(%run_scoped3A : memref<!tpu.dma_semaphore, #tpu.memory_space<semaphore_mem>>)
      %dma_wait3A_34 = arith.constant 0 : i32
      %dma_wait3A_35 = tpu.memref_slice %arg16[%mul3A_6, %dma_wait3A_34] : memref<10112x128xf32, #tpu.memory_space<vmem_shared>> -> memref<632x128xf32, #tpu.memory_space<vmem_shared>>
      tpu.wait_dma2 semaphore(%run_scoped3A : memref<!tpu.dma_semaphore, #tpu.memory_space<semaphore_mem>>) src(%arg5 : memref<632x128xf32, #tpu.memory_space<hbm>>) dst(%dma_wait3A_35 : memref<632x128xf32, #tpu.memory_space<vmem_shared>>)
      tpu.yield
    }) : () -> ()
    %barrier3A = arith.constant 0 : index
    tpu.barrier barrier_id(%barrier3A)
    %scan3A = arith.constant 0 : i32
    %scan3A_7 = arith.constant 27 : i32
    %scan3A_8 = arith.addi %scan3A, %scan3A_7 : i32
    %scan3A_9 = arith.constant 1 : i32
    scf.for %scan3A_33 = %scan3A to %scan3A_8 step %scan3A_9  : i32 {
      %gt3A = arith.constant 0 : i32
      %gt3A_34 = arith.cmpi sgt, %scan3A_33, %gt3A : i32
      %convert_element_type3A = arith.extui %gt3A_34 : i1 to i32
      %cond3A = arith.constant 0 : i32
      %cond3A_35 = arith.cmpi ne, %convert_element_type3A, %cond3A : i32
      scf.if %cond3A_35 {
        %dma_wait3A_138 = arith.constant 0 : i32
        %dma_wait3A_139 = arith.constant 0 : i32
        %dma_wait3A_140 = tpu.memref_slice %arg2[%dma_wait3A_138, %dma_wait3A_139] : memref<10000x128xf32, #tpu.memory_space<hbm>> -> memref<128x128xf32, #tpu.memory_space<hbm>>
        %dma_wait3A_141 = arith.constant 0 : i32
        %dma_wait3A_142 = arith.constant 0 : i32
        %dma_wait3A_143 = tpu.memref_slice %arg2[%dma_wait3A_141, %dma_wait3A_142] : memref<10000x128xf32, #tpu.memory_space<hbm>> -> memref<128x128xf32, #tpu.memory_space<hbm>>
        tpu.wait_dma2 semaphore(%arg23 : memref<!tpu.dma_semaphore, #tpu.memory_space<semaphore_mem>>) src(%dma_wait3A_143 : memref<128x128xf32, #tpu.memory_space<hbm>>) dst(%arg13 : memref<128x128xf32, #tpu.memory_space<vmem>>)
      } else {
      }
      %mul3A_36 = arith.constant 3 : i32
      %mul3A_37 = arith.muli %scan3A_33, %mul3A_36 : i32
      %add3A_38 = arith.constant 0 : i32
      %add3A_39 = arith.addi %mul3A_37, %add3A_38 : i32
      %mul3A_40 = arith.constant 128 : i32
      %mul3A_41 = arith.muli %add3A_39, %mul3A_40 : i32
      %add3A_42 = arith.addi %mul3A_4, %mul3A_41 : i32
      %dma_start3A = tpu.memref_slice %arg3[%add3A_42] : memref<331776xi32, #tpu.memory_space<hbm>> -> memref<128xi32, #tpu.memory_space<hbm>>
      %dma_start3A_43 = tpu.memref_slice %arg3[%add3A_42] : memref<331776xi32, #tpu.memory_space<hbm>> -> memref<128xi32, #tpu.memory_space<hbm>>
      tpu.enqueue_dma source(%dma_start3A_43 : memref<128xi32, #tpu.memory_space<hbm>>) target(%arg7 : memref<128xi32, #tpu.memory_space<vmem>>) target_semaphore(%arg17 : memref<!tpu.dma_semaphore, #tpu.memory_space<semaphore_mem>>)
      %dma_start3A_44 = tpu.memref_slice %arg4[%add3A_42] : memref<331776xi32, #tpu.memory_space<hbm>> -> memref<128xi32, #tpu.memory_space<hbm>>
      %dma_start3A_45 = tpu.memref_slice %arg4[%add3A_42] : memref<331776xi32, #tpu.memory_space<hbm>> -> memref<128xi32, #tpu.memory_space<hbm>>
      tpu.enqueue_dma source(%dma_start3A_45 : memref<128xi32, #tpu.memory_space<hbm>>) target(%arg10 : memref<128xi32, #tpu.memory_space<vmem>>) target_semaphore(%arg17 : memref<!tpu.dma_semaphore, #tpu.memory_space<semaphore_mem>>)
      %gt3A_46 = arith.constant 0 : i32
      %gt3A_47 = arith.cmpi sgt, %scan3A_33, %gt3A_46 : i32
      %convert_element_type3A_48 = arith.extui %gt3A_47 : i1 to i32
      %cond3A_49 = arith.constant 0 : i32
      %cond3A_50 = arith.cmpi ne, %convert_element_type3A_48, %cond3A_49 : i32
      scf.if %cond3A_50 {
        %dma_wait3A_138 = arith.constant 0 : i32
        %dma_wait3A_139 = arith.constant 0 : i32
        %dma_wait3A_140 = tpu.memref_slice %arg2[%dma_wait3A_138, %dma_wait3A_139] : memref<10000x128xf32, #tpu.memory_space<hbm>> -> memref<128x128xf32, #tpu.memory_space<hbm>>
        %dma_wait3A_141 = arith.constant 0 : i32
        %dma_wait3A_142 = arith.constant 0 : i32
        %dma_wait3A_143 = tpu.memref_slice %arg2[%dma_wait3A_141, %dma_wait3A_142] : memref<10000x128xf32, #tpu.memory_space<hbm>> -> memref<128x128xf32, #tpu.memory_space<hbm>>
        tpu.wait_dma2 semaphore(%arg24 : memref<!tpu.dma_semaphore, #tpu.memory_space<semaphore_mem>>) src(%dma_wait3A_143 : memref<128x128xf32, #tpu.memory_space<hbm>>) dst(%arg14 : memref<128x128xf32, #tpu.memory_space<vmem>>)
      } else {
      }
      %mul3A_51 = arith.constant 3 : i32
      %mul3A_52 = arith.muli %scan3A_33, %mul3A_51 : i32
      %add3A_53 = arith.constant 1 : i32
      %add3A_54 = arith.addi %mul3A_52, %add3A_53 : i32
      %mul3A_55 = arith.constant 128 : i32
      %mul3A_56 = arith.muli %add3A_54, %mul3A_55 : i32
      %add3A_57 = arith.addi %mul3A_4, %mul3A_56 : i32
      %dma_start3A_58 = tpu.memref_slice %arg3[%add3A_57] : memref<331776xi32, #tpu.memory_space<hbm>> -> memref<128xi32, #tpu.memory_space<hbm>>
      %dma_start3A_59 = tpu.memref_slice %arg3[%add3A_57] : memref<331776xi32, #tpu.memory_space<hbm>> -> memref<128xi32, #tpu.memory_space<hbm>>
      tpu.enqueue_dma source(%dma_start3A_59 : memref<128xi32, #tpu.memory_space<hbm>>) target(%arg8 : memref<128xi32, #tpu.memory_space<vmem>>) target_semaphore(%arg18 : memref<!tpu.dma_semaphore, #tpu.memory_space<semaphore_mem>>)
      %dma_start3A_60 = tpu.memref_slice %arg4[%add3A_57] : memref<331776xi32, #tpu.memory_space<hbm>> -> memref<128xi32, #tpu.memory_space<hbm>>
      %dma_start3A_61 = tpu.memref_slice %arg4[%add3A_57] : memref<331776xi32, #tpu.memory_space<hbm>> -> memref<128xi32, #tpu.memory_space<hbm>>
      tpu.enqueue_dma source(%dma_start3A_61 : memref<128xi32, #tpu.memory_space<hbm>>) target(%arg11 : memref<128xi32, #tpu.memory_space<vmem>>) target_semaphore(%arg18 : memref<!tpu.dma_semaphore, #tpu.memory_space<semaphore_mem>>)
      %gt3A_62 = arith.constant 0 : i32
      %gt3A_63 = arith.cmpi sgt, %scan3A_33, %gt3A_62 : i32
      %convert_element_type3A_64 = arith.extui %gt3A_63 : i1 to i32
      %cond3A_65 = arith.constant 0 : i32
      %cond3A_66 = arith.cmpi ne, %convert_element_type3A_64, %cond3A_65 : i32
      scf.if %cond3A_66 {
        %dma_wait3A_138 = arith.constant 0 : i32
        %dma_wait3A_139 = arith.constant 0 : i32
        %dma_wait3A_140 = tpu.memref_slice %arg2[%dma_wait3A_138, %dma_wait3A_139] : memref<10000x128xf32, #tpu.memory_space<hbm>> -> memref<128x128xf32, #tpu.memory_space<hbm>>
        %dma_wait3A_141 = arith.constant 0 : i32
        %dma_wait3A_142 = arith.constant 0 : i32
        %dma_wait3A_143 = tpu.memref_slice %arg2[%dma_wait3A_141, %dma_wait3A_142] : memref<10000x128xf32, #tpu.memory_space<hbm>> -> memref<128x128xf32, #tpu.memory_space<hbm>>
        tpu.wait_dma2 semaphore(%arg25 : memref<!tpu.dma_semaphore, #tpu.memory_space<semaphore_mem>>) src(%dma_wait3A_143 : memref<128x128xf32, #tpu.memory_space<hbm>>) dst(%arg15 : memref<128x128xf32, #tpu.memory_space<vmem>>)
      } else {
      }
      %mul3A_67 = arith.constant 3 : i32
      %mul3A_68 = arith.muli %scan3A_33, %mul3A_67 : i32
      %add3A_69 = arith.constant 2 : i32
      %add3A_70 = arith.addi %mul3A_68, %add3A_69 : i32
      %mul3A_71 = arith.constant 128 : i32
      %mul3A_72 = arith.muli %add3A_70, %mul3A_71 : i32
      %add3A_73 = arith.addi %mul3A_4, %mul3A_72 : i32
      %dma_start3A_74 = tpu.memref_slice %arg3[%add3A_73] : memref<331776xi32, #tpu.memory_space<hbm>> -> memref<128xi32, #tpu.memory_space<hbm>>
      %dma_start3A_75 = tpu.memref_slice %arg3[%add3A_73] : memref<331776xi32, #tpu.memory_space<hbm>> -> memref<128xi32, #tpu.memory_space<hbm>>
      tpu.enqueue_dma source(%dma_start3A_75 : memref<128xi32, #tpu.memory_space<hbm>>) target(%arg9 : memref<128xi32, #tpu.memory_space<vmem>>) target_semaphore(%arg19 : memref<!tpu.dma_semaphore, #tpu.memory_space<semaphore_mem>>)
      %dma_start3A_76 = tpu.memref_slice %arg4[%add3A_73] : memref<331776xi32, #tpu.memory_space<hbm>> -> memref<128xi32, #tpu.memory_space<hbm>>
      %dma_start3A_77 = tpu.memref_slice %arg4[%add3A_73] : memref<331776xi32, #tpu.memory_space<hbm>> -> memref<128xi32, #tpu.memory_space<hbm>>
      tpu.enqueue_dma source(%dma_start3A_77 : memref<128xi32, #tpu.memory_space<hbm>>) target(%arg12 : memref<128xi32, #tpu.memory_space<vmem>>) target_semaphore(%arg19 : memref<!tpu.dma_semaphore, #tpu.memory_space<semaphore_mem>>)
      %dma_wait3A_78 = arith.constant 0 : i32
      %dma_wait3A_79 = tpu.memref_slice %arg3[%dma_wait3A_78] : memref<331776xi32, #tpu.memory_space<hbm>> -> memref<128xi32, #tpu.memory_space<hbm>>
      %dma_wait3A_80 = arith.constant 0 : i32
      %dma_wait3A_81 = tpu.memref_slice %arg3[%dma_wait3A_80] : memref<331776xi32, #tpu.memory_space<hbm>> -> memref<128xi32, #tpu.memory_space<hbm>>
      tpu.wait_dma2 semaphore(%arg17 : memref<!tpu.dma_semaphore, #tpu.memory_space<semaphore_mem>>) src(%dma_wait3A_81 : memref<128xi32, #tpu.memory_space<hbm>>) dst(%arg7 : memref<128xi32, #tpu.memory_space<vmem>>)
      %dma_wait3A_82 = arith.constant 0 : i32
      %dma_wait3A_83 = tpu.memref_slice %arg3[%dma_wait3A_82] : memref<331776xi32, #tpu.memory_space<hbm>> -> memref<128xi32, #tpu.memory_space<hbm>>
      %dma_wait3A_84 = arith.constant 0 : i32
      %dma_wait3A_85 = tpu.memref_slice %arg3[%dma_wait3A_84] : memref<331776xi32, #tpu.memory_space<hbm>> -> memref<128xi32, #tpu.memory_space<hbm>>
      tpu.wait_dma2 semaphore(%arg17 : memref<!tpu.dma_semaphore, #tpu.memory_space<semaphore_mem>>) src(%dma_wait3A_85 : memref<128xi32, #tpu.memory_space<hbm>>) dst(%arg10 : memref<128xi32, #tpu.memory_space<vmem>>)
      %dma_start3A_86 = arith.constant 0 : i32
      %dma_start3A_87 = arith.constant 0 : i32
      %dma_start3A_88 = tpu.memref_slice %arg2[%dma_start3A_86, %dma_start3A_87] : memref<10000x128xf32, #tpu.memory_space<hbm>> -> memref<10000x128xf32, #tpu.memory_space<hbm>>
      tpu.enqueue_indirect_dma source(%dma_start3A_88 : memref<10000x128xf32, #tpu.memory_space<hbm>>) target(%arg13 : memref<128x128xf32, #tpu.memory_space<vmem>>) offsets(%arg7 : memref<128xi32, #tpu.memory_space<vmem>>) semaphore(%arg20 : memref<!tpu.dma_semaphore, #tpu.memory_space<semaphore_mem>>)
      %dma_wait3A_89 = arith.constant 0 : i32
      %dma_wait3A_90 = tpu.memref_slice %arg3[%dma_wait3A_89] : memref<331776xi32, #tpu.memory_space<hbm>> -> memref<128xi32, #tpu.memory_space<hbm>>
      %dma_wait3A_91 = arith.constant 0 : i32
      %dma_wait3A_92 = tpu.memref_slice %arg3[%dma_wait3A_91] : memref<331776xi32, #tpu.memory_space<hbm>> -> memref<128xi32, #tpu.memory_space<hbm>>
      tpu.wait_dma2 semaphore(%arg18 : memref<!tpu.dma_semaphore, #tpu.memory_space<semaphore_mem>>) src(%dma_wait3A_92 : memref<128xi32, #tpu.memory_space<hbm>>) dst(%arg8 : memref<128xi32, #tpu.memory_space<vmem>>)
      %dma_wait3A_93 = arith.constant 0 : i32
      %dma_wait3A_94 = tpu.memref_slice %arg3[%dma_wait3A_93] : memref<331776xi32, #tpu.memory_space<hbm>> -> memref<128xi32, #tpu.memory_space<hbm>>
      %dma_wait3A_95 = arith.constant 0 : i32
      %dma_wait3A_96 = tpu.memref_slice %arg3[%dma_wait3A_95] : memref<331776xi32, #tpu.memory_space<hbm>> -> memref<128xi32, #tpu.memory_space<hbm>>
      tpu.wait_dma2 semaphore(%arg18 : memref<!tpu.dma_semaphore, #tpu.memory_space<semaphore_mem>>) src(%dma_wait3A_96 : memref<128xi32, #tpu.memory_space<hbm>>) dst(%arg11 : memref<128xi32, #tpu.memory_space<vmem>>)
      %dma_start3A_97 = arith.constant 0 : i32
      %dma_start3A_98 = arith.constant 0 : i32
      %dma_start3A_99 = tpu.memref_slice %arg2[%dma_start3A_97, %dma_start3A_98] : memref<10000x128xf32, #tpu.memory_space<hbm>> -> memref<10000x128xf32, #tpu.memory_space<hbm>>
      tpu.enqueue_indirect_dma source(%dma_start3A_99 : memref<10000x128xf32, #tpu.memory_space<hbm>>) target(%arg14 : memref<128x128xf32, #tpu.memory_space<vmem>>) offsets(%arg8 : memref<128xi32, #tpu.memory_space<vmem>>) semaphore(%arg21 : memref<!tpu.dma_semaphore, #tpu.memory_space<semaphore_mem>>)
      %dma_wait3A_100 = arith.constant 0 : i32
      %dma_wait3A_101 = tpu.memref_slice %arg3[%dma_wait3A_100] : memref<331776xi32, #tpu.memory_space<hbm>> -> memref<128xi32, #tpu.memory_space<hbm>>
      %dma_wait3A_102 = arith.constant 0 : i32
      %dma_wait3A_103 = tpu.memref_slice %arg3[%dma_wait3A_102] : memref<331776xi32, #tpu.memory_space<hbm>> -> memref<128xi32, #tpu.memory_space<hbm>>
      tpu.wait_dma2 semaphore(%arg19 : memref<!tpu.dma_semaphore, #tpu.memory_space<semaphore_mem>>) src(%dma_wait3A_103 : memref<128xi32, #tpu.memory_space<hbm>>) dst(%arg9 : memref<128xi32, #tpu.memory_space<vmem>>)
      %dma_wait3A_104 = arith.constant 0 : i32
      %dma_wait3A_105 = tpu.memref_slice %arg3[%dma_wait3A_104] : memref<331776xi32, #tpu.memory_space<hbm>> -> memref<128xi32, #tpu.memory_space<hbm>>
      %dma_wait3A_106 = arith.constant 0 : i32
      %dma_wait3A_107 = tpu.memref_slice %arg3[%dma_wait3A_106] : memref<331776xi32, #tpu.memory_space<hbm>> -> memref<128xi32, #tpu.memory_space<hbm>>
      tpu.wait_dma2 semaphore(%arg19 : memref<!tpu.dma_semaphore, #tpu.memory_space<semaphore_mem>>) src(%dma_wait3A_107 : memref<128xi32, #tpu.memory_space<hbm>>) dst(%arg12 : memref<128xi32, #tpu.memory_space<vmem>>)
      %dma_start3A_108 = arith.constant 0 : i32
      %dma_start3A_109 = arith.constant 0 : i32
      %dma_start3A_110 = tpu.memref_slice %arg2[%dma_start3A_108, %dma_start3A_109] : memref<10000x128xf32, #tpu.memory_space<hbm>> -> memref<10000x128xf32, #tpu.memory_space<hbm>>
      tpu.enqueue_indirect_dma source(%dma_start3A_110 : memref<10000x128xf32, #tpu.memory_space<hbm>>) target(%arg15 : memref<128x128xf32, #tpu.memory_space<vmem>>) offsets(%arg9 : memref<128xi32, #tpu.memory_space<vmem>>) semaphore(%arg22 : memref<!tpu.dma_semaphore, #tpu.memory_space<semaphore_mem>>)
      %dma_wait3A_111 = arith.constant 0 : i32
      %dma_wait3A_112 = arith.constant 0 : i32
      %dma_wait3A_113 = tpu.memref_slice %arg2[%dma_wait3A_111, %dma_wait3A_112] : memref<10000x128xf32, #tpu.memory_space<hbm>> -> memref<128x128xf32, #tpu.memory_space<hbm>>
      %dma_wait3A_114 = arith.constant 0 : i32
      %dma_wait3A_115 = arith.constant 0 : i32
      %dma_wait3A_116 = tpu.memref_slice %arg2[%dma_wait3A_114, %dma_wait3A_115] : memref<10000x128xf32, #tpu.memory_space<hbm>> -> memref<128x128xf32, #tpu.memory_space<hbm>>
      tpu.wait_dma2 semaphore(%arg20 : memref<!tpu.dma_semaphore, #tpu.memory_space<semaphore_mem>>) src(%dma_wait3A_116 : memref<128x128xf32, #tpu.memory_space<hbm>>) dst(%arg13 : memref<128x128xf32, #tpu.memory_space<vmem>>)
      %dma_start3A_117 = arith.constant 0 : i32
      %dma_start3A_118 = arith.constant 0 : i32
      %dma_start3A_119 = tpu.memref_slice %arg16[%dma_start3A_117, %dma_start3A_118] : memref<10112x128xf32, #tpu.memory_space<vmem_shared>> -> memref<10112x128xf32, #tpu.memory_space<vmem_shared>>
      tpu.enqueue_indirect_dma source(%arg13 : memref<128x128xf32, #tpu.memory_space<vmem>>) target(%dma_start3A_119 : memref<10112x128xf32, #tpu.memory_space<vmem_shared>>) offsets(%arg10 : memref<128xi32, #tpu.memory_space<vmem>>) semaphore(%arg23 : memref<!tpu.dma_semaphore, #tpu.memory_space<semaphore_mem>>) {add = true}
      %dma_wait3A_120 = arith.constant 0 : i32
      %dma_wait3A_121 = arith.constant 0 : i32
      %dma_wait3A_122 = tpu.memref_slice %arg2[%dma_wait3A_120, %dma_wait3A_121] : memref<10000x128xf32, #tpu.memory_space<hbm>> -> memref<128x128xf32, #tpu.memory_space<hbm>>
      %dma_wait3A_123 = arith.constant 0 : i32
      %dma_wait3A_124 = arith.constant 0 : i32
      %dma_wait3A_125 = tpu.memref_slice %arg2[%dma_wait3A_123, %dma_wait3A_124] : memref<10000x128xf32, #tpu.memory_space<hbm>> -> memref<128x128xf32, #tpu.memory_space<hbm>>
      tpu.wait_dma2 semaphore(%arg21 : memref<!tpu.dma_semaphore, #tpu.memory_space<semaphore_mem>>) src(%dma_wait3A_125 : memref<128x128xf32, #tpu.memory_space<hbm>>) dst(%arg14 : memref<128x128xf32, #tpu.memory_space<vmem>>)
      %dma_start3A_126 = arith.constant 0 : i32
      %dma_start3A_127 = arith.constant 0 : i32
      %dma_start3A_128 = tpu.memref_slice %arg16[%dma_start3A_126, %dma_start3A_127] : memref<10112x128xf32, #tpu.memory_space<vmem_shared>> -> memref<10112x128xf32, #tpu.memory_space<vmem_shared>>
      tpu.enqueue_indirect_dma source(%arg14 : memref<128x128xf32, #tpu.memory_space<vmem>>) target(%dma_start3A_128 : memref<10112x128xf32, #tpu.memory_space<vmem_shared>>) offsets(%arg11 : memref<128xi32, #tpu.memory_space<vmem>>) semaphore(%arg24 : memref<!tpu.dma_semaphore, #tpu.memory_space<semaphore_mem>>) {add = true}
      %dma_wait3A_129 = arith.constant 0 : i32
      %dma_wait3A_130 = arith.constant 0 : i32
      %dma_wait3A_131 = tpu.memref_slice %arg2[%dma_wait3A_129, %dma_wait3A_130] : memref<10000x128xf32, #tpu.memory_space<hbm>> -> memref<128x128xf32, #tpu.memory_space<hbm>>
      %dma_wait3A_132 = arith.constant 0 : i32
      %dma_wait3A_133 = arith.constant 0 : i32
      %dma_wait3A_134 = tpu.memref_slice %arg2[%dma_wait3A_132, %dma_wait3A_133] : memref<10000x128xf32, #tpu.memory_space<hbm>> -> memref<128x128xf32, #tpu.memory_space<hbm>>
      tpu.wait_dma2 semaphore(%arg22 : memref<!tpu.dma_semaphore, #tpu.memory_space<semaphore_mem>>) src(%dma_wait3A_134 : memref<128x128xf32, #tpu.memory_space<hbm>>) dst(%arg15 : memref<128x128xf32, #tpu.memory_space<vmem>>)
      %dma_start3A_135 = arith.constant 0 : i32
      %dma_start3A_136 = arith.constant 0 : i32
      %dma_start3A_137 = tpu.memref_slice %arg16[%dma_start3A_135, %dma_start3A_136] : memref<10112x128xf32, #tpu.memory_space<vmem_shared>> -> memref<10112x128xf32, #tpu.memory_space<vmem_shared>>
      tpu.enqueue_indirect_dma source(%arg15 : memref<128x128xf32, #tpu.memory_space<vmem>>) target(%dma_start3A_137 : memref<10112x128xf32, #tpu.memory_space<vmem_shared>>) offsets(%arg12 : memref<128xi32, #tpu.memory_space<vmem>>) semaphore(%arg25 : memref<!tpu.dma_semaphore, #tpu.memory_space<semaphore_mem>>) {add = true}
    }
    %scan3A_10 = arith.constant 27 : i32
    %dma_wait3A = arith.constant 0 : i32
    %dma_wait3A_11 = arith.constant 0 : i32
    %dma_wait3A_12 = tpu.memref_slice %arg2[%dma_wait3A, %dma_wait3A_11] : memref<10000x128xf32, #tpu.memory_space<hbm>> -> memref<128x128xf32, #tpu.memory_space<hbm>>
    %dma_wait3A_13 = arith.constant 0 : i32
    %dma_wait3A_14 = arith.constant 0 : i32
    %dma_wait3A_15 = tpu.memref_slice %arg2[%dma_wait3A_13, %dma_wait3A_14] : memref<10000x128xf32, #tpu.memory_space<hbm>> -> memref<128x128xf32, #tpu.memory_space<hbm>>
    tpu.wait_dma2 semaphore(%arg23 : memref<!tpu.dma_semaphore, #tpu.memory_space<semaphore_mem>>) src(%dma_wait3A_15 : memref<128x128xf32, #tpu.memory_space<hbm>>) dst(%arg13 : memref<128x128xf32, #tpu.memory_space<vmem>>)
    %dma_wait3A_16 = arith.constant 0 : i32
    %dma_wait3A_17 = arith.constant 0 : i32
    %dma_wait3A_18 = tpu.memref_slice %arg2[%dma_wait3A_16, %dma_wait3A_17] : memref<10000x128xf32, #tpu.memory_space<hbm>> -> memref<128x128xf32, #tpu.memory_space<hbm>>
    %dma_wait3A_19 = arith.constant 0 : i32
    %dma_wait3A_20 = arith.constant 0 : i32
    %dma_wait3A_21 = tpu.memref_slice %arg2[%dma_wait3A_19, %dma_wait3A_20] : memref<10000x128xf32, #tpu.memory_space<hbm>> -> memref<128x128xf32, #tpu.memory_space<hbm>>
    tpu.wait_dma2 semaphore(%arg24 : memref<!tpu.dma_semaphore, #tpu.memory_space<semaphore_mem>>) src(%dma_wait3A_21 : memref<128x128xf32, #tpu.memory_space<hbm>>) dst(%arg14 : memref<128x128xf32, #tpu.memory_space<vmem>>)
    %dma_wait3A_22 = arith.constant 0 : i32
    %dma_wait3A_23 = arith.constant 0 : i32
    %dma_wait3A_24 = tpu.memref_slice %arg2[%dma_wait3A_22, %dma_wait3A_23] : memref<10000x128xf32, #tpu.memory_space<hbm>> -> memref<128x128xf32, #tpu.memory_space<hbm>>
    %dma_wait3A_25 = arith.constant 0 : i32
    %dma_wait3A_26 = arith.constant 0 : i32
    %dma_wait3A_27 = tpu.memref_slice %arg2[%dma_wait3A_25, %dma_wait3A_26] : memref<10000x128xf32, #tpu.memory_space<hbm>> -> memref<128x128xf32, #tpu.memory_space<hbm>>
    tpu.wait_dma2 semaphore(%arg25 : memref<!tpu.dma_semaphore, #tpu.memory_space<semaphore_mem>>) src(%dma_wait3A_27 : memref<128x128xf32, #tpu.memory_space<hbm>>) dst(%arg15 : memref<128x128xf32, #tpu.memory_space<vmem>>)
    %barrier3A_28 = arith.constant 0 : index
    tpu.barrier barrier_id(%barrier3A_28)
    %mul3A_29 = arith.constant 632 : i32
    %mul3A_30 = arith.muli %arg1, %mul3A_29 : i32
    %mul3A_31 = arith.constant 632 : i32
    %mul3A_32 = arith.muli %arg1, %mul3A_31 : i32
    "tpu.region"() ({
      %run_scoped3A = tpu.sem_alloc : memref<!tpu.dma_semaphore, #tpu.memory_space<semaphore_mem>>
      %dma_start3A = arith.constant 0 : i32
      %dma_start3A_33 = tpu.memref_slice %arg6[%arg0, %mul3A_32, %dma_start3A] : memref<2x10112x128xf32, #tpu.memory_space<hbm>> -> memref<1x632x128xf32, #tpu.memory_space<hbm>>
      %dma_start3A_34 = tpu.memref_squeeze %dma_start3A_33 : memref<1x632x128xf32, #tpu.memory_space<hbm>> -> memref<632x128xf32, #tpu.memory_space<hbm>>
      %dma_start3A_35 = arith.constant 0 : i32
      %dma_start3A_36 = tpu.memref_slice %arg16[%mul3A_30, %dma_start3A_35] : memref<10112x128xf32, #tpu.memory_space<vmem_shared>> -> memref<632x128xf32, #tpu.memory_space<vmem_shared>>
      tpu.enqueue_dma source(%dma_start3A_36 : memref<632x128xf32, #tpu.memory_space<vmem_shared>>) target(%dma_start3A_34 : memref<632x128xf32, #tpu.memory_space<hbm>>) target_semaphore(%run_scoped3A : memref<!tpu.dma_semaphore, #tpu.memory_space<semaphore_mem>>)
      %dma_wait3A_37 = arith.constant 0 : i32
      %dma_wait3A_38 = tpu.memref_slice %arg6[%arg0, %mul3A_32, %dma_wait3A_37] : memref<2x10112x128xf32, #tpu.memory_space<hbm>> -> memref<1x632x128xf32, #tpu.memory_space<hbm>>
      %dma_wait3A_39 = tpu.memref_squeeze %dma_wait3A_38 : memref<1x632x128xf32, #tpu.memory_space<hbm>> -> memref<632x128xf32, #tpu.memory_space<hbm>>
      %dma_wait3A_40 = arith.constant 0 : i32
      %dma_wait3A_41 = tpu.memref_slice %arg16[%mul3A_30, %dma_wait3A_40] : memref<10112x128xf32, #tpu.memory_space<vmem_shared>> -> memref<632x128xf32, #tpu.memory_space<vmem_shared>>
      tpu.wait_dma2 semaphore(%run_scoped3A : memref<!tpu.dma_semaphore, #tpu.memory_space<semaphore_mem>>) src(%dma_wait3A_41 : memref<632x128xf32, #tpu.memory_space<vmem_shared>>) dst(%dma_wait3A_39 : memref<632x128xf32, #tpu.memory_space<hbm>>)
      tpu.yield
    }) : () -> ()
    return
  }
}

module attributes {stable_mosaic.version = 14 : i64} {
  func.func @_k1a(%arg0: i32, %arg1: memref<1000x128xf32, #tpu.memory_space<vmem>>, %arg2: memref<128x128xf32, #tpu.memory_space<vmem>>, %arg3: memref<1000x128xf32, #tpu.memory_space<vmem>>) attributes {dimension_semantics = [#tpu.dimension_semantics<arbitrary>], iteration_bounds = array<i64: 10>, scalar_prefetch = 0 : i64, scratch_operands = 0 : i64, tpu.core_type = #tpu.core_type<tc>, window_params = [{transform_indices = @transform_0, window_bounds = array<i64: 1000, 128>}, {pipeline_mode = #tpu.pipeline_mode<synchronous>, transform_indices = @transform_1, window_bounds = array<i64: 128, 128>}, {transform_indices = @transform_2, window_bounds = array<i64: 1000, 128>}]} {
    %get3A = arith.constant 0 : index
    %get3A_0 = arith.constant 0 : index
    %get3A_1 = vector.load %arg1[%get3A, %get3A_0] : memref<1000x128xf32, #tpu.memory_space<vmem>>, vector<1000x128xf32>
    %get3A_2 = arith.constant 0 : index
    %get3A_3 = arith.constant 0 : index
    %get3A_4 = vector.load %arg2[%get3A_2, %get3A_3] : memref<128x128xf32, #tpu.memory_space<vmem>>, vector<128x128xf32>
    %dot_general3A = arith.constant dense<0.000000e+00> : vector<1000x128xf32>
    %dot_general3A_5 = tpu.matmul %get3A_1, %get3A_4, %dot_general3A {dimension_numbers = #tpu.dot_dimension_numbers<[1], [0], [0], [1], [0, 0, 1, 1], [], []>, transpose_lhs_hint = false} : vector<1000x128xf32>, vector<128x128xf32>, vector<1000x128xf32> -> vector<1000x128xf32>
    %swap3A = arith.constant 0 : index
    %swap3A_6 = arith.constant 0 : index
    %swap3A_7 = vector.load %arg3[%swap3A, %swap3A_6] : memref<1000x128xf32, #tpu.memory_space<vmem>>, vector<1000x128xf32>
    tpu.vector_store %arg3[%swap3A, %swap3A_6], %dot_general3A_5 {strides = array<i32>} : memref<1000x128xf32, #tpu.memory_space<vmem>>, vector<1000x128xf32>,
    return
  }
  func.func @transform_0(%arg0: i32) -> (i32, i32) {
    %c0_i32 = arith.constant 0 : i32
    %c0_i32_0 = arith.constant 0 : i32
    return %arg0, %c0_i32 : i32, i32
  }
  func.func @transform_1(%arg0: i32) -> (i32, i32) {
    %c0_i32 = arith.constant 0 : i32
    %c0_i32_0 = arith.constant 0 : i32
    %c0_i32_1 = arith.constant 0 : i32
    return %c0_i32, %c0_i32_0 : i32, i32
  }
  func.func @transform_2(%arg0: i32) -> (i32, i32) {
    %c0_i32 = arith.constant 0 : i32
    %c0_i32_0 = arith.constant 0 : i32
    return %arg0, %c0_i32 : i32, i32
  }
}

module attributes {stable_mosaic.version = 14 : i64} {
  func.func @_k1b(%arg0: i32, %arg1: memref<1000x128xf32, #tpu.memory_space<vmem>>, %arg2: memref<1x1000x128xf32, #tpu.memory_space<vmem>>, %arg3: memref<1x1000x128xf32, #tpu.memory_space<vmem>>, %arg4: memref<1000x128xf32, #tpu.memory_space<vmem>>) attributes {dimension_semantics = [#tpu.dimension_semantics<arbitrary>], iteration_bounds = array<i64: 10>, scalar_prefetch = 0 : i64, scratch_operands = 0 : i64, tpu.core_type = #tpu.core_type<tc>, window_params = [{transform_indices = @transform_0, window_bounds = array<i64: 1000, 128>}, {transform_indices = @transform_1, window_bounds = array<i64: 1, 1000, 128>}, {transform_indices = @transform_2, window_bounds = array<i64: 1, 1000, 128>}, {transform_indices = @transform_3, window_bounds = array<i64: 1000, 128>}]} {
    %get3A = arith.constant 0 : index
    %get3A_0 = arith.constant 0 : index
    %get3A_1 = vector.load %arg1[%get3A, %get3A_0] : memref<1000x128xf32, #tpu.memory_space<vmem>>, vector<1000x128xf32>
    %get3A_2 = arith.constant 0 : index
    %get3A_3 = arith.constant 0 : index
    %get3A_4 = arith.constant 0 : index
    %get3A_5 = vector.load %arg2[%get3A_2, %get3A_3, %get3A_4] : memref<1x1000x128xf32, #tpu.memory_space<vmem>>, vector<1x1000x1xf32>
    %get3A_6 = vector.shape_cast %get3A_5 : vector<1x1000x1xf32> to vector<1000x1xf32>
    %get3A_7 = arith.constant 0 : index
    %get3A_8 = arith.constant 0 : index
    %get3A_9 = arith.constant 0 : index
    %get3A_10 = vector.load %arg3[%get3A_7, %get3A_8, %get3A_9] : memref<1x1000x128xf32, #tpu.memory_space<vmem>>, vector<1x1000x1xf32>
    %get3A_11 = vector.shape_cast %get3A_10 : vector<1x1000x1xf32> to vector<1000x1xf32>
    %add3A = arith.addf %get3A_6, %get3A_11 : vector<1000x1xf32>
    %add3A_12 = arith.constant 1.000000e+00 : f32
    %add3A_13 = vector.broadcast %add3A_12 : f32 to vector<1000x1xf32>
    %add3A_14 = arith.addf %add3A, %add3A_13 : vector<1000x1xf32>
    %rsqrt3A = math.rsqrt %add3A_14 : vector<1000x1xf32>
    %mul3A = vector.broadcast %rsqrt3A : vector<1000x1xf32> to vector<1000x128xf32>
    %mul3A_15 = arith.mulf %get3A_1, %mul3A : vector<1000x128xf32>
    %swap3A = arith.constant 0 : index
    %swap3A_16 = arith.constant 0 : index
    %swap3A_17 = vector.load %arg4[%swap3A, %swap3A_16] : memref<1000x128xf32, #tpu.memory_space<vmem>>, vector<1000x128xf32>
    tpu.vector_store %arg4[%swap3A, %swap3A_16], %mul3A_15 {strides = array<i32>} : memref<1000x128xf32, #tpu.memory_space<vmem>>, vector<1000x128xf32>,
    return
  }
  func.func @transform_0(%arg0: i32) -> (i32, i32) {
    %c0_i32 = arith.constant 0 : i32
    %c0_i32_0 = arith.constant 0 : i32
    return %arg0, %c0_i32 : i32, i32
  }
  func.func @transform_1(%arg0: i32) -> (i32, i32, i32) {
    %c0_i32 = arith.constant 0 : i32
    %c0_i32_0 = arith.constant 0 : i32
    %c0_i32_1 = arith.constant 0 : i32
    return %c0_i32, %arg0, %c0_i32_0 : i32, i32, i32
  }
  func.func @transform_2(%arg0: i32) -> (i32, i32, i32) {
    %c1_i32 = arith.constant 1 : i32
    %c0_i32 = arith.constant 0 : i32
    %c0_i32_0 = arith.constant 0 : i32
    return %c1_i32, %arg0, %c0_i32 : i32, i32, i32
  }
  func.func @transform_3(%arg0: i32) -> (i32, i32) {
    %c0_i32 = arith.constant 0 : i32
    %c0_i32_0 = arith.constant 0 : i32
    return %arg0, %c0_i32 : i32, i32
  }
}

module attributes {stable_mosaic.version = 14 : i64} {
  func.func @_k2(%arg0: i32, %arg1: memref<1x1000x128xf32, #tpu.memory_space<vmem>>, %arg2: memref<1x1000x128xf32, #tpu.memory_space<vmem>>, %arg3: memref<1000x128xf32, #tpu.memory_space<vmem>>, %arg4: memref<1x1000x128xf32, #tpu.memory_space<vmem>>, %arg5: memref<1x1000x128xf32, #tpu.memory_space<vmem>>, %arg6: memref<1x128xf32, #tpu.memory_space<vmem>>, %arg7: memref<128x128xf32, #tpu.memory_space<vmem>>, %arg8: memref<1000x128xf32, #tpu.memory_space<vmem>>) attributes {dimension_semantics = [#tpu.dimension_semantics<arbitrary>], iteration_bounds = array<i64: 10>, scalar_prefetch = 0 : i64, scratch_operands = 0 : i64, tpu.core_type = #tpu.core_type<tc>, window_params = [{transform_indices = @transform_0, window_bounds = array<i64: 1, 1000, 128>}, {transform_indices = @transform_1, window_bounds = array<i64: 1, 1000, 128>}, {transform_indices = @transform_2, window_bounds = array<i64: 1000, 128>}, {transform_indices = @transform_3, window_bounds = array<i64: 1, 1000, 128>}, {transform_indices = @transform_4, window_bounds = array<i64: 1, 1000, 128>}, {pipeline_mode = #tpu.pipeline_mode<synchronous>, transform_indices = @transform_5, window_bounds = array<i64: 1, 128>}, {pipeline_mode = #tpu.pipeline_mode<synchronous>, transform_indices = @transform_6, window_bounds = array<i64: 128, 128>}, {transform_indices = @transform_7, window_bounds = array<i64: 1000, 128>}]} {
    %get3A = arith.constant 0 : index
    %get3A_0 = arith.constant 0 : index
    %get3A_1 = arith.constant 0 : index
    %get3A_2 = vector.load %arg4[%get3A, %get3A_0, %get3A_1] : memref<1x1000x128xf32, #tpu.memory_space<vmem>>, vector<1x1000x1xf32>
    %get3A_3 = vector.shape_cast %get3A_2 : vector<1x1000x1xf32> to vector<1000x1xf32>
    %get3A_4 = arith.constant 0 : index
    %get3A_5 = arith.constant 0 : index
    %get3A_6 = arith.constant 0 : index
    %get3A_7 = vector.load %arg5[%get3A_4, %get3A_5, %get3A_6] : memref<1x1000x128xf32, #tpu.memory_space<vmem>>, vector<1x1000x1xf32>
    %get3A_8 = vector.shape_cast %get3A_7 : vector<1x1000x1xf32> to vector<1000x1xf32>
    %add3A = arith.addf %get3A_3, %get3A_8 : vector<1000x1xf32>
    %add3A_9 = arith.constant 1.000000e+00 : f32
    %add3A_10 = vector.broadcast %add3A_9 : f32 to vector<1000x1xf32>
    %add3A_11 = arith.addf %add3A, %add3A_10 : vector<1000x1xf32>
    %rsqrt3A = math.rsqrt %add3A_11 : vector<1000x1xf32>
    %get3A_12 = arith.constant 0 : index
    %get3A_13 = arith.constant 0 : index
    %get3A_14 = arith.constant 0 : index
    %get3A_15 = vector.load %arg1[%get3A_12, %get3A_13, %get3A_14] : memref<1x1000x128xf32, #tpu.memory_space<vmem>>, vector<1x1000x128xf32>
    %get3A_16 = vector.shape_cast %get3A_15 : vector<1x1000x128xf32> to vector<1000x128xf32>
    %get3A_17 = arith.constant 0 : index
    %get3A_18 = arith.constant 0 : index
    %get3A_19 = arith.constant 0 : index
    %get3A_20 = vector.load %arg2[%get3A_17, %get3A_18, %get3A_19] : memref<1x1000x128xf32, #tpu.memory_space<vmem>>, vector<1x1000x128xf32>
    %get3A_21 = vector.shape_cast %get3A_20 : vector<1x1000x128xf32> to vector<1000x128xf32>
    %add3A_22 = arith.addf %get3A_16, %get3A_21 : vector<1000x128xf32>
    %get3A_23 = arith.constant 0 : index
    %get3A_24 = arith.constant 0 : index
    %get3A_25 = vector.load %arg3[%get3A_23, %get3A_24] : memref<1000x128xf32, #tpu.memory_space<vmem>>, vector<1000x128xf32>
    %add3A_26 = arith.addf %add3A_22, %get3A_25 : vector<1000x128xf32>
    %mul3A = vector.broadcast %rsqrt3A : vector<1000x1xf32> to vector<1000x128xf32>
    %mul3A_27 = arith.mulf %add3A_26, %mul3A : vector<1000x128xf32>
    %get3A_28 = arith.constant 0 : index
    %get3A_29 = arith.constant 0 : index
    %get3A_30 = vector.load %arg6[%get3A_28, %get3A_29] : memref<1x128xf32, #tpu.memory_space<vmem>>, vector<1x128xf32>
    %add3A_31 = vector.broadcast %get3A_30 : vector<1x128xf32> to vector<1000x128xf32>
    %add3A_32 = arith.addf %mul3A_27, %add3A_31 : vector<1000x128xf32>
    %max3A = arith.constant 0.000000e+00 : f32
    %max3A_33 = vector.broadcast %max3A : f32 to vector<1000x128xf32>
    %max3A_34 = arith.maximumf %add3A_32, %max3A_33 : vector<1000x128xf32>
    %get3A_35 = arith.constant 0 : index
    %get3A_36 = arith.constant 0 : index
    %get3A_37 = vector.load %arg7[%get3A_35, %get3A_36] : memref<128x128xf32, #tpu.memory_space<vmem>>, vector<128x128xf32>
    %dot_general3A = arith.constant dense<0.000000e+00> : vector<1000x128xf32>
    %dot_general3A_38 = tpu.matmul %max3A_34, %get3A_37, %dot_general3A {dimension_numbers = #tpu.dot_dimension_numbers<[1], [0], [0], [1], [0, 0, 1, 1], [], []>, transpose_lhs_hint = false} : vector<1000x128xf32>, vector<128x128xf32>, vector<1000x128xf32> -> vector<1000x128xf32>
    %mul3A_39 = vector.broadcast %rsqrt3A : vector<1000x1xf32> to vector<1000x128xf32>
    %mul3A_40 = arith.mulf %dot_general3A_38, %mul3A_39 : vector<1000x128xf32>
    %swap3A = arith.constant 0 : index
    %swap3A_41 = arith.constant 0 : index
    %swap3A_42 = vector.load %arg8[%swap3A, %swap3A_41] : memref<1000x128xf32, #tpu.memory_space<vmem>>, vector<1000x128xf32>
    tpu.vector_store %arg8[%swap3A, %swap3A_41], %mul3A_40 {strides = array<i32>} : memref<1000x128xf32, #tpu.memory_space<vmem>>, vector<1000x128xf32>,
    return
  }
  func.func @transform_0(%arg0: i32) -> (i32, i32, i32) {
    %c0_i32 = arith.constant 0 : i32
    %c0_i32_0 = arith.constant 0 : i32
    %c0_i32_1 = arith.constant 0 : i32
    return %c0_i32, %arg0, %c0_i32_0 : i32, i32, i32
  }
  func.func @transform_1(%arg0: i32) -> (i32, i32, i32) {
    %c1_i32 = arith.constant 1 : i32
    %c0_i32 = arith.constant 0 : i32
    %c0_i32_0 = arith.constant 0 : i32
    return %c1_i32, %arg0, %c0_i32 : i32, i32, i32
  }
  func.func @transform_2(%arg0: i32) -> (i32, i32) {
    %c0_i32 = arith.constant 0 : i32
    %c0_i32_0 = arith.constant 0 : i32
    return %arg0, %c0_i32 : i32, i32
  }
  func.func @transform_3(%arg0: i32) -> (i32, i32, i32) {
    %c0_i32 = arith.constant 0 : i32
    %c0_i32_0 = arith.constant 0 : i32
    %c0_i32_1 = arith.constant 0 : i32
    return %c0_i32, %arg0, %c0_i32_0 : i32, i32, i32
  }
  func.func @transform_4(%arg0: i32) -> (i32, i32, i32) {
    %c1_i32 = arith.constant 1 : i32
    %c0_i32 = arith.constant 0 : i32
    %c0_i32_0 = arith.constant 0 : i32
    return %c1_i32, %arg0, %c0_i32 : i32, i32, i32
  }
  func.func @transform_5(%arg0: i32) -> (i32, i32) {
    %c0_i32 = arith.constant 0 : i32
    %c0_i32_0 = arith.constant 0 : i32
    %c0_i32_1 = arith.constant 0 : i32
    return %c0_i32, %c0_i32_0 : i32, i32
  }
  func.func @transform_6(%arg0: i32) -> (i32, i32) {
    %c0_i32 = arith.constant 0 : i32
    %c0_i32_0 = arith.constant 0 : i32
    %c0_i32_1 = arith.constant 0 : i32
    return %c0_i32, %c0_i32_0 : i32, i32
  }
  func.func @transform_7(%arg0: i32) -> (i32, i32) {
    %c0_i32 = arith.constant 0 : i32
    %c0_i32_0 = arith.constant 0 : i32
    return %arg0, %c0_i32 : i32, i32
  }
}

module attributes {stable_mosaic.version = 14 : i64} {
  func.func @_k3(%arg0: i32, %arg1: memref<1x400x128xf32, #tpu.memory_space<vmem>>, %arg2: memref<1x400x128xf32, #tpu.memory_space<vmem>>, %arg3: memref<400x128xf32, #tpu.memory_space<vmem>>, %arg4: memref<1x400x128xf32, #tpu.memory_space<vmem>>, %arg5: memref<1x400x128xf32, #tpu.memory_space<vmem>>, %arg6: memref<1x128xf32, #tpu.memory_space<vmem>>, %arg7: memref<128x10000xf32, #tpu.memory_space<vmem>>, %arg8: memref<1x10000xf32, #tpu.memory_space<vmem>>, %arg9: memref<400x10000xf32, #tpu.memory_space<vmem>>) attributes {dimension_semantics = [#tpu.dimension_semantics<arbitrary>], iteration_bounds = array<i64: 25>, scalar_prefetch = 0 : i64, scratch_operands = 0 : i64, tpu.core_type = #tpu.core_type<tc>, window_params = [{transform_indices = @transform_0, window_bounds = array<i64: 1, 400, 128>}, {transform_indices = @transform_1, window_bounds = array<i64: 1, 400, 128>}, {transform_indices = @transform_2, window_bounds = array<i64: 400, 128>}, {transform_indices = @transform_3, window_bounds = array<i64: 1, 400, 128>}, {transform_indices = @transform_4, window_bounds = array<i64: 1, 400, 128>}, {pipeline_mode = #tpu.pipeline_mode<synchronous>, transform_indices = @transform_5, window_bounds = array<i64: 1, 128>}, {pipeline_mode = #tpu.pipeline_mode<synchronous>, transform_indices = @transform_6, window_bounds = array<i64: 128, 10000>}, {pipeline_mode = #tpu.pipeline_mode<synchronous>, transform_indices = @transform_7, window_bounds = array<i64: 1, 10000>}, {transform_indices = @transform_8, window_bounds = array<i64: 400, 10000>}]} {
    %get3A = arith.constant 0 : index
    %get3A_0 = arith.constant 0 : index
    %get3A_1 = arith.constant 0 : index
    %get3A_2 = vector.load %arg4[%get3A, %get3A_0, %get3A_1] : memref<1x400x128xf32, #tpu.memory_space<vmem>>, vector<1x400x1xf32>
    %get3A_3 = vector.shape_cast %get3A_2 : vector<1x400x1xf32> to vector<400x1xf32>
    %get3A_4 = arith.constant 0 : index
    %get3A_5 = arith.constant 0 : index
    %get3A_6 = arith.constant 0 : index
    %get3A_7 = vector.load %arg5[%get3A_4, %get3A_5, %get3A_6] : memref<1x400x128xf32, #tpu.memory_space<vmem>>, vector<1x400x1xf32>
    %get3A_8 = vector.shape_cast %get3A_7 : vector<1x400x1xf32> to vector<400x1xf32>
    %add3A = arith.addf %get3A_3, %get3A_8 : vector<400x1xf32>
    %add3A_9 = arith.constant 1.000000e+00 : f32
    %add3A_10 = vector.broadcast %add3A_9 : f32 to vector<400x1xf32>
    %add3A_11 = arith.addf %add3A, %add3A_10 : vector<400x1xf32>
    %rsqrt3A = math.rsqrt %add3A_11 : vector<400x1xf32>
    %get3A_12 = arith.constant 0 : index
    %get3A_13 = arith.constant 0 : index
    %get3A_14 = arith.constant 0 : index
    %get3A_15 = vector.load %arg1[%get3A_12, %get3A_13, %get3A_14] : memref<1x400x128xf32, #tpu.memory_space<vmem>>, vector<1x400x128xf32>
    %get3A_16 = vector.shape_cast %get3A_15 : vector<1x400x128xf32> to vector<400x128xf32>
    %get3A_17 = arith.constant 0 : index
    %get3A_18 = arith.constant 0 : index
    %get3A_19 = arith.constant 0 : index
    %get3A_20 = vector.load %arg2[%get3A_17, %get3A_18, %get3A_19] : memref<1x400x128xf32, #tpu.memory_space<vmem>>, vector<1x400x128xf32>
    %get3A_21 = vector.shape_cast %get3A_20 : vector<1x400x128xf32> to vector<400x128xf32>
    %add3A_22 = arith.addf %get3A_16, %get3A_21 : vector<400x128xf32>
    %get3A_23 = arith.constant 0 : index
    %get3A_24 = arith.constant 0 : index
    %get3A_25 = vector.load %arg3[%get3A_23, %get3A_24] : memref<400x128xf32, #tpu.memory_space<vmem>>, vector<400x128xf32>
    %add3A_26 = arith.addf %add3A_22, %get3A_25 : vector<400x128xf32>
    %mul3A = vector.broadcast %rsqrt3A : vector<400x1xf32> to vector<400x128xf32>
    %mul3A_27 = arith.mulf %add3A_26, %mul3A : vector<400x128xf32>
    %get3A_28 = arith.constant 0 : index
    %get3A_29 = arith.constant 0 : index
    %get3A_30 = vector.load %arg6[%get3A_28, %get3A_29] : memref<1x128xf32, #tpu.memory_space<vmem>>, vector<1x128xf32>
    %add3A_31 = vector.broadcast %get3A_30 : vector<1x128xf32> to vector<400x128xf32>
    %add3A_32 = arith.addf %mul3A_27, %add3A_31 : vector<400x128xf32>
    %max3A = arith.constant 0.000000e+00 : f32
    %max3A_33 = vector.broadcast %max3A : f32 to vector<400x128xf32>
    %max3A_34 = arith.maximumf %add3A_32, %max3A_33 : vector<400x128xf32>
    %get3A_35 = arith.constant 0 : index
    %get3A_36 = arith.constant 0 : index
    %get3A_37 = vector.load %arg7[%get3A_35, %get3A_36] : memref<128x10000xf32, #tpu.memory_space<vmem>>, vector<128x10000xf32>
    %dot_general3A = arith.constant dense<0.000000e+00> : vector<400x10000xf32>
    %dot_general3A_38 = tpu.matmul %max3A_34, %get3A_37, %dot_general3A {dimension_numbers = #tpu.dot_dimension_numbers<[1], [0], [0], [1], [0, 0, 1, 1], [], []>, transpose_lhs_hint = false} : vector<400x128xf32>, vector<128x10000xf32>, vector<400x10000xf32> -> vector<400x10000xf32>
    %get3A_39 = arith.constant 0 : index
    %get3A_40 = arith.constant 0 : index
    %get3A_41 = vector.load %arg8[%get3A_39, %get3A_40] : memref<1x10000xf32, #tpu.memory_space<vmem>>, vector<1x10000xf32>
    %add3A_42 = vector.broadcast %get3A_41 : vector<1x10000xf32> to vector<400x10000xf32>
    %add3A_43 = arith.addf %dot_general3A_38, %add3A_42 : vector<400x10000xf32>
    %swap3A = arith.constant 0 : index
    %swap3A_44 = arith.constant 0 : index
    %swap3A_45 = vector.load %arg9[%swap3A, %swap3A_44] : memref<400x10000xf32, #tpu.memory_space<vmem>>, vector<400x10000xf32>
    tpu.vector_store %arg9[%swap3A, %swap3A_44], %add3A_43 {strides = array<i32>} : memref<400x10000xf32, #tpu.memory_space<vmem>>, vector<400x10000xf32>,
    return
  }
  func.func @transform_0(%arg0: i32) -> (i32, i32, i32) {
    %c0_i32 = arith.constant 0 : i32
    %c0_i32_0 = arith.constant 0 : i32
    %c0_i32_1 = arith.constant 0 : i32
    return %c0_i32, %arg0, %c0_i32_0 : i32, i32, i32
  }
  func.func @transform_1(%arg0: i32) -> (i32, i32, i32) {
    %c1_i32 = arith.constant 1 : i32
    %c0_i32 = arith.constant 0 : i32
    %c0_i32_0 = arith.constant 0 : i32
    return %c1_i32, %arg0, %c0_i32 : i32, i32, i32
  }
  func.func @transform_2(%arg0: i32) -> (i32, i32) {
    %c0_i32 = arith.constant 0 : i32
    %c0_i32_0 = arith.constant 0 : i32
    return %arg0, %c0_i32 : i32, i32
  }
  func.func @transform_3(%arg0: i32) -> (i32, i32, i32) {
    %c0_i32 = arith.constant 0 : i32
    %c0_i32_0 = arith.constant 0 : i32
    %c0_i32_1 = arith.constant 0 : i32
    return %c0_i32, %arg0, %c0_i32_0 : i32, i32, i32
  }
  func.func @transform_4(%arg0: i32) -> (i32, i32, i32) {
    %c1_i32 = arith.constant 1 : i32
    %c0_i32 = arith.constant 0 : i32
    %c0_i32_0 = arith.constant 0 : i32
    return %c1_i32, %arg0, %c0_i32 : i32, i32, i32
  }
  func.func @transform_5(%arg0: i32) -> (i32, i32) {
    %c0_i32 = arith.constant 0 : i32
    %c0_i32_0 = arith.constant 0 : i32
    %c0_i32_1 = arith.constant 0 : i32
    return %c0_i32, %c0_i32_0 : i32, i32
  }
  func.func @transform_6(%arg0: i32) -> (i32, i32) {
    %c0_i32 = arith.constant 0 : i32
    %c0_i32_0 = arith.constant 0 : i32
    %c0_i32_1 = arith.constant 0 : i32
    return %c0_i32, %c0_i32_0 : i32, i32
  }
  func.func @transform_7(%arg0: i32) -> (i32, i32) {
    %c0_i32 = arith.constant 0 : i32
    %c0_i32_0 = arith.constant 0 : i32
    %c0_i32_1 = arith.constant 0 : i32
    return %c0_i32, %c0_i32_0 : i32, i32
  }
  func.func @transform_8(%arg0: i32) -> (i32, i32) {
    %c0_i32 = arith.constant 0 : i32
    %c0_i32_0 = arith.constant 0 : i32
    return %arg0, %c0_i32 : i32, i32
  }
}

</mosaic_0001>

<sc_bundles>
// kernel: kernel.12.cloned.1.call-start
scs
__scs_entry_jumppad:
0x0: {  	(pc) =	sbr.rel $0x88, $3  }
0x1: {  	(tag) =	ssettag $0x0;
	lr =	simm.s32 $0x1  }
0x2: {  	[smem:$0x3F99] =	sst lr;
	_ =	strace $0xD0000000  }
0x3: {  	_ = 	snop  }
0x4: {  	_ = 	snop  }
0x5: {  	_ = 	snop  }
0x6: {  	_ = 	snop  }
0x7: {  	_ = 	snop  }
__scs_overlays_trampoline_lowered:
0x8: {  	[smem:$0x3FA8] =	sst s0  }
0x9: {  	[smem:$0x3FA9] =	sst s1  }
0xa: {  	[smem:$0x3FAA] =	sst s2  }
0xb: {  	[smem:$0x3FAB] =	sst s3  }
0xc: {  	[smem:$0x3FAC] =	sst s4  }
0xd: {  	[smem:$0x3FAD] =	sst s5  }
0xe: {  	[smem:$0x3FAE] =	sst s6  }
0xf: {  	[smem:$0x3FAF] =	sst s7  }
0x10: {  	[smem:$0x3FB0] =	sst s8  }
0x11: {  	[smem:$0x3FB1] =	sst s9;
	s0 =	simm.s32 @!p0 $0x0  }
0x12: {  	s1 =	sld [smem:$0x3F97];
	s0 =	simm.s32 @p0 $0x1  }
0x13: {  	[smem:$0x3FB2] =	sst s0;
	s0 =	simm.s32 @!p1 $0x0  }
0x14: {  	s2 =	sld [smem:$0x3F96];
	s0 =	simm.s32 @p1 $0x1  }
0x15: {  	[smem:$0x3FB3] =	sst s0;
	s0 =	simm.s32 @!p2 $0x0  }
0x16: {  	s3 =	sld [smem:$0x3FDB];
	s0 =	simm.s32 @p2 $0x1  }
0x17: {  	s4 =	simm.s32 $0x1BF5;
	[smem:$0x3FB5] =	sst s0  }
0x18: {  	s0 =	sld [smem:$0x3F98];
	_ =	swait.ge [sflag:s4], $0x0  }
0x19: {  	s7 =	sld [smem:$0x3F99]  }
0x1a: {  	s8 =	sadd.s32 $0xFFFFE003, lr  }
0x1b: {  	s9 =	sadd.s32 $0xFFFFFEF7, lr;
	s5 =	simm.s32 $0xFFFFFFFF;
	p2 =	slt.u32 s8, $0xFFFFF086  }
0x1c: {  	p1 =	slt.u32 s9, $0xF7A;
	s5 =	simm.s32 @!p2 $0x0  }
0x1d: {  	s5 =	simm.s32 @p1 $0x1;
	p0 =	seq.s32 s7, s2  }
0x1e: {  	s7 =	smul.u32 @!p0 $0xF7A, s2;
	p2 =	seq.s32 @!p0 s5, $0x0  }
0x1f: {  	s9 =	smul.u32 $0xF7A, s1;
	s8 =	simm.s32 @!p0 $0x1BF5;
	p2 =	por !p2, p0  }
0x20: {  	[sflag:s8] =	ssyncset.s32 @!p0 $0xFFFFF086;
	s6 =	sadd.s32 @!p0 s3, s7;
	s7 =	simm.s32 @!p0 $0x108  }
0x21: {  	s3 =	sadd.s32 s3, s9;
	s6 =	sadd.s32 @!p0 $0x88, s6;
	s7 =	simm.s32 @p2 $0x1082  }
0x22: {  	[simem:s7], [sflag:s8] =	dma.local @!p0 [hbm:s6], $0xF7A  }
0x23: {  	s9 =	sor.u32 $0xD0000000, s2;
	s6 =	simm.s32 $0x108;
	_ =	swait.ge @!p0 [sflag:s8], $0x0  }
0x24: {  	s3 =	sadd.s32 $0x88, s3;
	s6 =	simm.s32 @!p1 $0x1082;
	[sflag:s4] =	ssyncset.s32 $0xFFFFF086  }
0x25: {  	[simem:s6], [sflag:s4] =	dma.local [hbm:s3], $0xF7A  }
0x26: {  	[smem:$0x3F99] =	sst s1;
	(tag) =	ssettag s2;
	_ =	strace s9  }
0x27: {  	s1 =	sld [smem:$0x3FA9]  }
0x28: {  	s2 =	sld [smem:$0x3FAA]  }
0x29: {  	s4 =	sld [smem:$0x3FAC]  }
0x2a: {  	p0 =	seq.s32 s5, $0x0;
	s5 =	sld [smem:$0x3FAD]  }
0x2b: {  	s6 =	sld [smem:$0x3FAE]  }
0x2c: {  	s7 =	sld [smem:$0x3FAF]  }
0x2d: {  	s3 =	simm.s32 $0x108;
	s8 =	sld [smem:$0x3FB0]  }
0x2e: {  	s3 =	simm.s32 @!p0 $0x1082;
	s9 =	sld [smem:$0x3FB1]  }
0x2f: {  	lr =	sadd.s32 s0, s3;
	s0 =	sld [smem:$0x3FA8]  }
0x30: {  	s3 =	sld [smem:$0x3FAB]  }
0x31: {  	[smem:$0x3FB4] =	sst s10  }
0x32: {  	s10 =	sld [smem:$0x3FB2];
	_ =	sdelay $0x3  }
0x33: {  	p0 =	seq.s32 s10, $0x1;
	s10 =	sld [smem:$0x3FB4];
	_ =	sdelay $0x3  }
0x34: {  	[smem:$0x3FB4] =	sst s10  }
0x35: {  	s10 =	sld [smem:$0x3FB3];
	_ =	sdelay $0x3  }
0x36: {  	p1 =	seq.s32 s10, $0x1;
	s10 =	sld [smem:$0x3FB4];
	_ =	sdelay $0x3  }
0x37: {  	[smem:$0x3FB4] =	sst s10  }
0x38: {  	s10 =	sld [smem:$0x3FB5]  }
0x39: {  	_ = 	snop;
	(pc) =	sbr.ind lr, $3  }
0x3a: {  	_ = 	snop  }
0x3b: {  	_ = 	snop  }
0x3c: {  	p2 =	seq.s32 s10, $0x1;
	s10 =	sld [smem:$0x3FB4]  }
0x3d: {  	_ =	shalt  }
0x3e: {  	_ =	shalt  }
0x3f: {  	_ =	shalt  }
0x40: {  	_ =	shalt  }
0x41: {  	_ =	shalt  }
0x42: {  	_ =	shalt  }
0x43: {  	_ =	shalt  }
0x44: {  	_ =	shalt  }
0x45: {  	_ =	shalt  }
0x46: {  	_ =	shalt  }
0x47: {  	_ =	shalt  }
0x48: {  	_ =	shalt  }
0x49: {  	_ =	shalt  }
0x4a: {  	_ =	shalt  }
0x4b: {  	_ =	shalt  }
0x4c: {  	_ =	shalt  }
0x4d: {  	_ =	shalt  }
0x4e: {  	_ =	shalt  }
0x4f: {  	_ =	shalt  }
0x50: {  	_ =	shalt  }
0x51: {  	_ =	shalt  }
0x52: {  	_ =	shalt  }
0x53: {  	_ =	shalt  }
0x54: {  	_ =	shalt  }
0x55: {  	_ =	shalt  }
0x56: {  	_ =	shalt  }
0x57: {  	_ =	shalt  }
0x58: {  	_ =	shalt  }
0x59: {  	_ =	shalt  }
0x5a: {  	_ =	shalt  }
0x5b: {  	_ =	shalt  }
0x5c: {  	_ =	shalt  }
0x5d: {  	_ =	shalt  }
0x5e: {  	_ =	shalt  }
0x5f: {  	_ =	shalt  }
0x60: {  	_ =	shalt  }
0x61: {  	_ =	shalt  }
0x62: {  	_ =	shalt  }
0x63: {  	_ =	shalt  }
0x64: {  	_ =	shalt  }
0x65: {  	_ =	shalt  }
0x66: {  	_ =	shalt  }
0x67: {  	_ =	shalt  }
0x68: {  	_ =	shalt  }
0x69: {  	_ =	shalt  }
0x6a: {  	_ =	shalt  }
0x6b: {  	_ =	shalt  }
0x6c: {  	_ =	shalt  }
0x6d: {  	_ =	shalt  }
0x6e: {  	_ =	shalt  }
0x6f: {  	_ =	shalt  }
0x70: {  	_ =	shalt  }
0x71: {  	_ =	shalt  }
0x72: {  	_ =	shalt  }
0x73: {  	_ =	shalt  }
0x74: {  	_ =	shalt  }
0x75: {  	_ =	shalt  }
0x76: {  	_ =	shalt  }
0x77: {  	_ =	shalt  }
0x78: {  	_ =	shalt  }
0x79: {  	_ =	shalt  }
0x7a: {  	_ =	shalt  }
0x7b: {  	_ =	shalt  }
0x7c: {  	_ =	shalt  }
0x7d: {  	_ =	shalt  }
0x7e: {  	_ =	shalt  }
0x7f: {  	_ =	shalt  }
0x80: {  	_ =	shalt  }
0x81: {  	_ =	shalt  }
0x82: {  	_ =	shalt  }
0x83: {  	_ =	shalt  }
0x84: {  	_ =	shalt  }
0x85: {  	_ =	shalt  }
0x86: {  	_ =	shalt  }
0x87: {  	_ =	shalt  }
.Lfunc_end0:
.L_simem_size_0:
called_computation.1_lowered:
.L_overlay_start_0:
0x88: {  	s2 =	sld [smem:$0x3FD9]  }
0x89: {  	s3 =	sld [smem:$0x3FFE];
	_ =	sdelay $0x1  }
0x8a: {  	s1 =	srdreg.scid  }
0x8b: {  	s0 =	sand.u32 $0x1, s1  }
0x8c: {  	s17 =	sshll.u32 s0, $0xA;
	s2 =	sadd.s32 s3, s2  }
0x8d: {  	s2 =	sadd.s32 s2, s17  }
0x8e: {  	[smem:$0x3FC0] =	sst s2  }
0x8f: {  	_ = 	snop  }
0x90: {  	s2 =	sld [smem:$0x3FD0];
	(tm) =	ssettm $0x1  }
0x91: {  	s18 =	sld [smem:$0x3FFB];
	_ =	sdelay $0x3  }
0x92: {  	_ =	strace s18  }
0x93: {  	s3 =	sld [smem:$0x3FFC];
	_ =	sdelay $0x3  }
0x94: {  	_ =	strace s3  }
0x95: {  	s3 =	sld [smem:$0x3FFD];
	_ =	sdelay $0x3  }
0x96: {  	_ =	strace s3  }
0x97: {  	_ =	strace $0x8FFFFFFF  }
0x98: {  	s19 =	sld [smem:$0x3FDB];
	_ =	sdelay $0x1  }
0x99: {  	s4 =	simm.s32 $_scs_section_size  }
0x9a: {  	s5 =	simm.s32 $_size__tile_overlayer_lowered;
	s6 =	simm.s32 $_tile_overlayer_lowered  }
0x9b: {  	s22 =	simm.s32 $0x1BFF;
	s21 =	sshll.u32 s6, $0x1;
	s3 =	sadd.s32 s4, s19  }
0x9c: {  	s7 =	simm.s32 $0x0;
	s20 =	sshll.u32 s5, $0x1;
	s5 =	sadd.s32 s21, s3  }
0x9d: {  	[timem:s7], [sflag:s22] =	dma.local [hbm:s5], s20  }
0x9e: {  	_ =	swait.ge [sflag:s22], s20  }
0x9f: {  	s4 =	ssub.s32 $0x0, s20;
	[sflag:s22] =	ssyncset.done $0x0  }
0xa0: {  	[sflag:s22] =	ssyncadd.s32 s4;
	_ =	sdelay $0x1  }
0xa1: {  	s23 =	simm.s32 $0x1B8B  }
0xa2: {  	_ =	swait.ge [sflag:s23], $0x1  }
0xa3: {  	[sflag:s23] =	ssyncset.done $0x0  }
0xa4: {  	s25 =	simm.s32 $0x1B8E;
	s24 =	sld [smem:$0x3FFE];
	[sflag:s23] =	ssyncadd.s32 $0xFFFFFFFF  }
0xa5: {  	s26 =	simm.s32 $execute0_lowered;
	[smem:$0x3FD2] =	sst s25  }
0xa6: {  	s5 =	sshll.u32 s26, $0x1;
	_ =	strace $0x80000049;
	[dreg:$0x1] =	wrdreg $0xFFFFFFFF  }
0xa7: {  	s28 =	simm.s32 $_size_execute0_lowered;
	s3 =	sadd.s32 s3, s5;
	[dreg:$0x0] =	wrdreg $0x0  }
0xa8: {  	s5 =	sshll.u32 s28, $0x1;
	[dreg:$0x2] =	wrdreg s3  }
0xa9: {  	[dreg:$0x3] =	wrdreg s5  }
0xaa: {  	[dreg:$0x4] =	wrdreg $0xC0  }
0xab: {  	_ =	task [dreg:s7], $0x5FFFF  }
0xac: {  	[dreg:$0x1] =	wrdreg $0xFFFFFFFF  }
0xad: {  	[dreg:$0x0] =	wrdreg $0x60  }
0xae: {  	[dreg:$0x2] =	wrdreg s24  }
0xaf: {  	[dreg:$0x3] =	wrdreg s2  }
0xb0: {  	[dreg:$0x4] =	wrdreg $0xC3000  }
0xb1: {  	[dreg:$0x5] =	wrdreg $0x9  }
0xb2: {  	_ =	task.clear_ibuf [dreg:s7], $0x6FFFF;
	_ =	strace $0x90000049  }
0xb3: {  	s29 =	simm.s32 $0x9;
	_ =	strace $0x8000004B  }
0xb4: {  	_ =	swait.ge [sflag:s29], $0x1  }
0xb5: {  	[sflag:s29] =	ssyncadd.s32 $0xFFFFFFFF  }
0xb6: {  	_ =	strace $0x9000004B  }
0xb7: {  	_ =	sfence  }
0xb8: {  	s30 =	sld [smem:$0x0];
	_ =	sdelay $0x2  }
0xb9: {  	s31 =	sshll.u32 s1, $0xD;
	s1 =	sshrl.u32 s1, $0x2  }
0xba: {  	s3 =	sand.u32 $0x4000, s31;
	s1 =	sadd.s32 s1, s30  }
0xbb: {  	s0 =	sor.u32 s3, s0;
	s1 =	sshll.u32 s1, $0x11  }
0xbc: {  	s0 =	sor.u32 s1, s0  }
0xbd: {  	s0 =	sadd.s32 $0x8F2B, s0  }
0xbe: {  	[sflag:s0] =	ssyncadd.remote.s32 $0x1  }
0xbf: {  	_ =	sfence.sel $0xFFFF  }
0xc0: {  	[dreg:$0x0] =	wrdreg $0xFFFFFFFF;
	(pc) =	sbr.abs _section_cstart, $3  }
0xc1: {  	[dreg:$0x1] =	wrdreg $0xFFFFFFFF  }
0xc2: {  	_ =	task.clear_ibuf [dreg:s7], $0x2FFFF;
	_ =	strace $0x9FFFFFFF  }
0xc3: {  	(tm) =	ssettm $0x7FFFFFFF  }
tec
execute0_lowered:
.L_overlay_start_1:
0x0: {  	(tag) =	ssettag $0x1  }
0x1: {  	s0 =	rddreg [dreg:$0x0]  }
0x2: {  	s1 =	rddreg [dreg:$0x1]  }
0x3: {  	s2 =	rddreg [dreg:$0x2]  }
0x4: {  	s3 =	simm.s32 $0x0;
	s4 =	srdreg.scid;
	s14 =	stileid.u32  }
0x5: {  	s15 =	simm.s32 $0x180;
	s16 =	simm.s32 $0x80;
	s17 =	simm.s32 $0x200  }
0x6: {  	s18 =	simm.s32 $0x100;
	s19 =	simm.s32 $0x280;
	s28 =	simm.s32 $0x5  }
0x7: {  	s29 =	simm.s32 $0x6;
	[smem:$0x7FF] =	sst s3;
	s5 =	sand.u32 $0x1, s4  }
0x8: {  	s6 =	smul.u32 $0x4F000, s14;
	s4 =	sadd.s32 $0x69600, s0;
	s12 =	sadd.s32 $0xDC00, s0  }
0x9: {  	s11 =	sadd.s32 $0x3A00, s0;
	s0 =	sadd.s32 $0x17E00, s0;
	s21 =	smul.u32 $0x2880, s14  }
0xa: {  	s10 =	smul.u32 $0x13C00, s14;
	s22 =	sshll.u32 s14, $0x6;
	s14 =	simm.s32 $0xA  }
0xb: {  	_ =	strace $0x8000004A;
	s7 =	smul.u32 $0x13C000, s5;
	s20 =	ssub.s32 $0x2, s5  }
0xc: {  	s8 =	smul.u32 $0x28800, s5;
	s9 =	sshrl.u32 s20, $0x1;
	s6 =	sshrl.u32 s6, $0x2  }
0xd: {  	[dreg:$0x6] =	wrdreg s0;
	s0 =	ssub.s32 s20, s9;
	s13 =	sadd.s32 s6, s2  }
0xe: {  	s5 =	sadd.s32 s21, s8;
	s7 =	sadd.s32 s10, s7;
	s6 =	sor.u32 $0x1C0A, s22  }
0xf: {  	s20 =	simm.s32 $0x1;
	s21 =	simm.s32 $0x300;
	s22 =	simm.s32 $0x2  }
0x10: {  	s8 =	sadd.s32 $0x100, s5;
	s7 =	sshrl.u32 s7, $0x3;
	s0 =	smax.u32 s0, $0x1  }
0x11: {  	s26 =	sadd.s32 $0x80, s5;
	s31 =	sshrl.u32 s5, $0x3;
	s13 =	sshrl.u32 s13, $0x3  }
0x12: {  	s23 =	sshrl.u32 s8, $0x3;
	s1 =	sadd.s32 s1, s7;
	[dreg:$0x8] =	wrdreg s0  }
0x13: {  	s30 =	sshrl.u32 s26, $0x3;
	s26 =	simm.s32 $0x4;
	[dreg:$0x7] =	wrdreg s1  }
0x14: {  	s24 =	sadd.s32 s23, s11;
	s25 =	sadd.s32 s23, s12;
	s9 =	sadd.s32 s30, s11  }
0x15: {  	s10 =	sadd.s32 s30, s12;
	s11 =	sadd.s32 s31, s11;
	s12 =	sadd.s32 s31, s12  }
0x16: {  	s23 =	simm.s32 $0x4300;
	s1 =	simm.s32 $0x0;
	[dreg:$0x4] =	wrdreg s24  }
0x17: {  	[dreg:$0x5] =	wrdreg s25;
	s24 =	simm.s32 $0x3;
	s25 =	simm.s32 $0x8300  }
.LBB2_1:
0x18: {  	s0 =	rddreg [dreg:$0x6]  }
0x19: {  	[spmem:s13], [sflag:s6] =	dma.local [hbm:s0], $0x2780  }
0x1a: {  	_ =	swait.ge [sflag:s14], $0x2780  }
0x1b: {  	[sflag:s14] =	ssyncset.done $0x0  }
0x1c: {  	p0 =	por $0x1, $0x1;
	[sflag:s14] =	ssyncadd.s32 $0xFFFFD880  }
0x1d: {  	s5 =	simm.s32 @!p0 $0x7;
	[bflag:$0x0] =	sbarrier.arrive $0xFFFF  }
0x1e: {  	_ =	swait.ge @!p0 [sflag:s5], $0x4000  }
0x1f: {  	[sflag:s5] =	ssyncset.done @!p0 $0x0  }
0x20: {  	s31 =	sadd.s32 $0x0, s12;
	[sflag:s5] =	ssyncadd.s32 @!p0 $0xFFFFC000  }
0x21: {  	[tilespmem:s3], [sflag:$0x1] =	stream.linear.gather [hbm4b:s31+s3], $0x80, $0x38;
	[tilespmem:$0x1FF00] =	vst v63  }
0x22: {  	s0 =	sadd.s32 $0x0, s11;
	s7 =	simm.s32 @!p0 $0x8  }
0x23: {  	[tilespmem:s15], [sflag:$0x1] =	stream.linear.gather [hbm4b:s0+s3], $0x80, $0x38;
	[tilespmem:$0x1FF00] =	vst v63  }
0x24: {  	_ =	swait.ge @!p0 [sflag:s7], $0x4000  }
0x25: {  	[sflag:s7] =	ssyncset.done @!p0 $0x0  }
0x26: {  	[sflag:s7] =	ssyncadd.s32 @!p0 $0xFFFFC000;
	s7 =	sadd.s32 $0x0, s10  }
0x27: {  	[tilespmem:s16], [sflag:$0x2] =	stream.linear.gather [hbm4b:s7+s3], $0x80, $0x38;
	[tilespmem:$0x1FF00] =	vst v63  }
0x28: {  	s8 =	sadd.s32 $0x0, s9;
	s7 =	simm.s32 @!p0 $0x9  }
0x29: {  	[tilespmem:s17], [sflag:$0x2] =	stream.linear.gather [hbm4b:s8+s3], $0x80, $0x38;
	[tilespmem:$0x1FF00] =	vst v63  }
0x2a: {  	_ =	swait.ge @!p0 [sflag:s7], $0x4000  }
0x2b: {  	s30 =	rddreg [dreg:$0x5];
	[sflag:s7] =	ssyncset.done @!p0 $0x0  }
0x2c: {  	s8 =	rddreg [dreg:$0x4];
	[sflag:s7] =	ssyncadd.s32 @!p0 $0xFFFFC000;
	s5 =	sadd.s32 $0x0, s30  }
0x2d: {  	[tilespmem:s18], [sflag:$0x3] =	stream.linear.gather [hbm4b:s5+s3], $0x80, $0x38;
	[tilespmem:$0x1FF00] =	vst v63  }
0x2e: {  	s31 =	sadd.s32 $0x0, s8  }
0x2f: {  	[tilespmem:s19], [sflag:$0x3] =	stream.linear.gather [hbm4b:s31+s3], $0x80, $0x38;
	[tilespmem:$0x1FF00] =	vst v63  }
0x30: {  	_ =	swait.ge [sflag:s20], $0x80  }
0x31: {  	[sflag:s20] =	ssyncset.done $0x0  }
0x32: {  	[sflag:s20] =	ssyncadd.s32 $0xFFFFFF80  }
0x33: {  	_ =	swait.ge [sflag:s20], $0x80  }
0x34: {  	[sflag:s20] =	ssyncset.done $0x0  }
0x35: {  	[sflag:s20] =	ssyncadd.s32 $0xFFFFFF80  }
0x36: {  	[tilespmem:s21], [sflag:$0x4] =	stream.indirect.gather [hbm4b:s4+s16], $0x80, s3, s16, $0xb8;
	[tilespmem:$0x1FF00] =	vst v63  }
0x37: {  	_ =	swait.ge [sflag:s22], $0x80  }
0x38: {  	[sflag:s22] =	ssyncset.done $0x0  }
0x39: {  	[sflag:s22] =	ssyncadd.s32 $0xFFFFFF80  }
0x3a: {  	_ =	swait.ge [sflag:s22], $0x80  }
0x3b: {  	[sflag:s22] =	ssyncset.done $0x0  }
0x3c: {  	[sflag:s22] =	ssyncadd.s32 $0xFFFFFF80  }
0x3d: {  	[tilespmem:s23], [sflag:$0x5] =	stream.indirect.gather [hbm4b:s4+s16], $0x80, s16, s16, $0xb8;
	[tilespmem:$0x1FF00] =	vst v63  }
0x3e: {  	_ =	swait.ge [sflag:s24], $0x80  }
0x3f: {  	[sflag:s24] =	ssyncset.done $0x0  }
0x40: {  	[sflag:s24] =	ssyncadd.s32 $0xFFFFFF80  }
0x41: {  	_ =	swait.ge [sflag:s24], $0x80  }
0x42: {  	[sflag:s24] =	ssyncset.done $0x0  }
0x43: {  	[sflag:s24] =	ssyncadd.s32 $0xFFFFFF80  }
0x44: {  	[tilespmem:s25], [sflag:$0x6] =	stream.indirect.gather [hbm4b:s4+s16], $0x80, s18, s16, $0xb8;
	[tilespmem:$0x1FF00] =	vst v63  }
0x45: {  	_ =	swait.ge [sflag:s26], $0x4000  }
0x46: {  	[sflag:s26] =	ssyncset.done $0x0  }
0x47: {  	[sflag:s26] =	ssyncadd.s32 $0xFFFFC000  }
0x48: {  	[spmem:s2] =	stream.indirect.scatter.add.f32 [tilespmem:s21], [sflag:$0x7], $0x80, s15, s16, $0xb8;
	[tilespmem:$0x1FF00] =	vst v63  }
0x49: {  	_ =	swait.ge [sflag:s28], $0x4000  }
0x4a: {  	[sflag:s28] =	ssyncset.done $0x0  }
0x4b: {  	[sflag:s28] =	ssyncadd.s32 $0xFFFFC000  }
0x4c: {  	[spmem:s2] =	stream.indirect.scatter.add.f32 [tilespmem:s23], [sflag:$0x8], $0x80, s17, s16, $0xb8;
	[tilespmem:$0x1FF00] =	vst v63  }
0x4d: {  	p1 =	por $0x0, $0x0;
	_ =	swait.ge [sflag:s29], $0x4000  }
0x4e: {  	s7 =	simm.s32 $0x60;
	s5 =	simm.s32 $0x30;
	[sflag:s29] =	ssyncset.done $0x0  }
.LBB2_2:
0x4f: {  	s8 =	simm.s32 @!p1 $0x7;
	[sflag:s29] =	ssyncadd.s32 $0xFFFFC000  }
0x50: {  	[spmem:s2] =	stream.indirect.scatter.add.f32 [tilespmem:s25], [sflag:$0x9], $0x80, s19, s16, $0xb8;
	[tilespmem:$0x1FF00] =	vst v63  }
0x51: {  	_ =	swait.ge @!p1 [sflag:s8], $0x4000  }
0x52: {  	[sflag:s8] =	ssyncset.done @!p1 $0x0  }
0x53: {  	s31 =	sadd.s32 s5, s12;
	[sflag:s8] =	ssyncadd.s32 @!p1 $0xFFFFC000  }
0x54: {  	[tilespmem:s3], [sflag:$0x1] =	stream.linear.gather [hbm4b:s31+s3], $0x80, $0x38;
	[tilespmem:$0x1FF00] =	vst v63  }
0x55: {  	s0 =	sadd.s32 s5, s11;
	s31 =	simm.s32 @!p1 $0x8  }
0x56: {  	[tilespmem:s15], [sflag:$0x1] =	stream.linear.gather [hbm4b:s0+s3], $0x80, $0x38;
	[tilespmem:$0x1FF00] =	vst v63  }
0x57: {  	_ =	swait.ge @!p1 [sflag:s31], $0x4000  }
0x58: {  	[sflag:s31] =	ssyncset.done @!p1 $0x0  }
0x59: {  	[sflag:s31] =	ssyncadd.s32 @!p1 $0xFFFFC000;
	s31 =	sadd.s32 s5, s10  }
0x5a: {  	[tilespmem:s16], [sflag:$0x2] =	stream.linear.gather [hbm4b:s31+s3], $0x80, $0x38;
	[tilespmem:$0x1FF00] =	vst v63  }
0x5b: {  	s0 =	sadd.s32 s5, s9;
	s31 =	simm.s32 @!p1 $0x9  }
0x5c: {  	[tilespmem:s17], [sflag:$0x2] =	stream.linear.gather [hbm4b:s0+s3], $0x80, $0x38;
	[tilespmem:$0x1FF00] =	vst v63  }
0x5d: {  	_ =	swait.ge @!p1 [sflag:s31], $0x4000  }
0x5e: {  	s8 =	rddreg [dreg:$0x5];
	[sflag:s31] =	ssyncset.done @!p1 $0x0  }
0x5f: {  	s0 =	rddreg [dreg:$0x4];
	[sflag:s31] =	ssyncadd.s32 @!p1 $0xFFFFC000;
	s8 =	sadd.s32 s5, s8  }
0x60: {  	[tilespmem:s18], [sflag:$0x3] =	stream.linear.gather [hbm4b:s8+s3], $0x80, $0x38;
	[tilespmem:$0x1FF00] =	vst v63  }
0x61: {  	s0 =	sadd.s32 s5, s0  }
0x62: {  	[tilespmem:s19], [sflag:$0x3] =	stream.linear.gather [hbm4b:s0+s3], $0x80, $0x38;
	[tilespmem:$0x1FF00] =	vst v63  }
0x63: {  	_ =	swait.ge [sflag:s20], $0x80  }
0x64: {  	[sflag:s20] =	ssyncset.done $0x0  }
0x65: {  	[sflag:s20] =	ssyncadd.s32 $0xFFFFFF80  }
0x66: {  	_ =	swait.ge [sflag:s20], $0x80  }
0x67: {  	[sflag:s20] =	ssyncset.done $0x0  }
0x68: {  	[sflag:s20] =	ssyncadd.s32 $0xFFFFFF80  }
0x69: {  	[tilespmem:s21], [sflag:$0x4] =	stream.indirect.gather [hbm4b:s4+s16], $0x80, s3, s16, $0xb8;
	[tilespmem:$0x1FF00] =	vst v63  }
0x6a: {  	_ =	swait.ge [sflag:s22], $0x80  }
0x6b: {  	[sflag:s22] =	ssyncset.done $0x0  }
0x6c: {  	[sflag:s22] =	ssyncadd.s32 $0xFFFFFF80  }
0x6d: {  	_ =	swait.ge [sflag:s22], $0x80  }
0x6e: {  	[sflag:s22] =	ssyncset.done $0x0  }
0x6f: {  	[sflag:s22] =	ssyncadd.s32 $0xFFFFFF80  }
0x70: {  	[tilespmem:s23], [sflag:$0x5] =	stream.indirect.gather [hbm4b:s4+s16], $0x80, s16, s16, $0xb8;
	[tilespmem:$0x1FF00] =	vst v63  }
0x71: {  	_ =	swait.ge [sflag:s24], $0x80  }
0x72: {  	[sflag:s24] =	ssyncset.done $0x0  }
0x73: {  	[sflag:s24] =	ssyncadd.s32 $0xFFFFFF80  }
0x74: {  	_ =	swait.ge [sflag:s24], $0x80  }
0x75: {  	[sflag:s24] =	ssyncset.done $0x0  }
0x76: {  	[sflag:s24] =	ssyncadd.s32 $0xFFFFFF80  }
0x77: {  	[tilespmem:s25], [sflag:$0x6] =	stream.indirect.gather [hbm4b:s4+s16], $0x80, s18, s16, $0xb8;
	[tilespmem:$0x1FF00] =	vst v63  }
0x78: {  	_ =	swait.ge [sflag:s26], $0x4000  }
0x79: {  	[sflag:s26] =	ssyncset.done $0x0  }
0x7a: {  	s30 =	smov.u32 s7;
	s7 =	sadd.s32 $0x30, s7;
	[sflag:s26] =	ssyncadd.s32 $0xFFFFC000  }
0x7b: {  	[spmem:s2] =	stream.indirect.scatter.add.f32 [tilespmem:s21], [sflag:$0x7], $0x80, s15, s16, $0xb8;
	[tilespmem:$0x1FF00] =	vst v63  }
0x7c: {  	p0 =	sne.s32 s7, $0x510;
	_ =	swait.ge [sflag:s28], $0x4000  }
.Ltmp0:
0x7d: {  	[sflag:s28] =	ssyncset.done $0x0;
	(pc) =	sbr.rel @p0 .LBB2_2-.Ltmp0, $4  }
0x7e: {  	[sflag:s28] =	ssyncadd.s32 $0xFFFFC000  }
0x7f: {  	[spmem:s2] =	stream.indirect.scatter.add.f32 [tilespmem:s23], [sflag:$0x8], $0x80, s17, s16, $0xb8;
	[tilespmem:$0x1FF00] =	vst v63  }
0x80: {  	s5 =	smov.u32 s30;
	_ =	swait.ge [sflag:s29], $0x4000  }
0x81: {  	p1 =	seq.s32 s5, $0x0;
	[sflag:s29] =	ssyncset.done $0x0  }
0x82: {  	s0 =	simm.s32 @!p1 $0x7;
	[sflag:s29] =	ssyncadd.s32 $0xFFFFC000  }
0x83: {  	[spmem:s2] =	stream.indirect.scatter.add.f32 [tilespmem:s25], [sflag:$0x9], $0x80, s19, s16, $0xb8;
	[tilespmem:$0x1FF00] =	vst v63  }
0x84: {  	_ =	swait.ge @!p1 [sflag:s0], $0x4000  }
0x85: {  	[sflag:s0] =	ssyncset.done @!p1 $0x0  }
0x86: {  	s30 =	sadd.s32 s5, s12;
	[sflag:s0] =	ssyncadd.s32 @!p1 $0xFFFFC000  }
0x87: {  	[tilespmem:s3], [sflag:$0x1] =	stream.linear.gather [hbm4b:s30+s3], $0x80, $0x38;
	[tilespmem:$0x1FF00] =	vst v63  }
0x88: {  	s31 =	sadd.s32 s5, s11;
	s7 =	simm.s32 @!p1 $0x8  }
0x89: {  	[tilespmem:s15], [sflag:$0x1] =	stream.linear.gather [hbm4b:s31+s3], $0x80, $0x38;
	[tilespmem:$0x1FF00] =	vst v63  }
0x8a: {  	_ =	swait.ge @!p1 [sflag:s7], $0x4000  }
0x8b: {  	[sflag:s7] =	ssyncset.done @!p1 $0x0  }
0x8c: {  	[sflag:s7] =	ssyncadd.s32 @!p1 $0xFFFFC000;
	s7 =	sadd.s32 s5, s10  }
0x8d: {  	[tilespmem:s16], [sflag:$0x2] =	stream.linear.gather [hbm4b:s7+s3], $0x80, $0x38;
	[tilespmem:$0x1FF00] =	vst v63  }
0x8e: {  	s8 =	sadd.s32 s5, s9;
	s7 =	simm.s32 @!p1 $0x9  }
0x8f: {  	[tilespmem:s17], [sflag:$0x2] =	stream.linear.gather [hbm4b:s8+s3], $0x80, $0x38;
	[tilespmem:$0x1FF00] =	vst v63  }
0x90: {  	_ =	swait.ge @!p1 [sflag:s7], $0x4000  }
0x91: {  	s30 =	rddreg [dreg:$0x5];
	[sflag:s7] =	ssyncset.done @!p1 $0x0  }
0x92: {  	s8 =	rddreg [dreg:$0x4];
	[sflag:s7] =	ssyncadd.s32 @!p1 $0xFFFFC000;
	s0 =	sadd.s32 s5, s30  }
0x93: {  	[tilespmem:s18], [sflag:$0x3] =	stream.linear.gather [hbm4b:s0+s3], $0x80, $0x38;
	[tilespmem:$0x1FF00] =	vst v63  }
0x94: {  	s31 =	sadd.s32 s5, s8  }
0x95: {  	[tilespmem:s19], [sflag:$0x3] =	stream.linear.gather [hbm4b:s31+s3], $0x80, $0x38;
	[tilespmem:$0x1FF00] =	vst v63  }
0x96: {  	_ =	swait.ge [sflag:s20], $0x80  }
0x97: {  	[sflag:s20] =	ssyncset.done $0x0  }
0x98: {  	[sflag:s20] =	ssyncadd.s32 $0xFFFFFF80  }
0x99: {  	_ =	swait.ge [sflag:s20], $0x80  }
0x9a: {  	[sflag:s20] =	ssyncset.done $0x0  }
0x9b: {  	[sflag:s20] =	ssyncadd.s32 $0xFFFFFF80  }
0x9c: {  	[tilespmem:s21], [sflag:$0x4] =	stream.indirect.gather [hbm4b:s4+s16], $0x80, s3, s16, $0xb8;
	[tilespmem:$0x1FF00] =	vst v63  }
0x9d: {  	_ =	swait.ge [sflag:s22], $0x80  }
0x9e: {  	[sflag:s22] =	ssyncset.done $0x0  }
0x9f: {  	[sflag:s22] =	ssyncadd.s32 $0xFFFFFF80  }
0xa0: {  	_ =	swait.ge [sflag:s22], $0x80  }
0xa1: {  	[sflag:s22] =	ssyncset.done $0x0  }
0xa2: {  	[sflag:s22] =	ssyncadd.s32 $0xFFFFFF80  }
0xa3: {  	[tilespmem:s23], [sflag:$0x5] =	stream.indirect.gather [hbm4b:s4+s16], $0x80, s16, s16, $0xb8;
	[tilespmem:$0x1FF00] =	vst v63  }
0xa4: {  	_ =	swait.ge [sflag:s24], $0x80  }
0xa5: {  	[sflag:s24] =	ssyncset.done $0x0  }
0xa6: {  	[sflag:s24] =	ssyncadd.s32 $0xFFFFFF80  }
0xa7: {  	_ =	swait.ge [sflag:s24], $0x80  }
0xa8: {  	[sflag:s24] =	ssyncset.done $0x0  }
0xa9: {  	[sflag:s24] =	ssyncadd.s32 $0xFFFFFF80  }
0xaa: {  	[tilespmem:s25], [sflag:$0x6] =	stream.indirect.gather [hbm4b:s4+s16], $0x80, s18, s16, $0xb8;
	[tilespmem:$0x1FF00] =	vst v63  }
0xab: {  	_ =	swait.ge [sflag:s26], $0x4000  }
0xac: {  	[sflag:s26] =	ssyncset.done $0x0  }
0xad: {  	[sflag:s26] =	ssyncadd.s32 $0xFFFFC000  }
0xae: {  	[spmem:s2] =	stream.indirect.scatter.add.f32 [tilespmem:s21], [sflag:$0x7], $0x80, s15, s16, $0xb8;
	[tilespmem:$0x1FF00] =	vst v63  }
0xaf: {  	_ =	swait.ge [sflag:s28], $0x4000  }
0xb0: {  	[sflag:s28] =	ssyncset.done $0x0  }
0xb1: {  	[sflag:s28] =	ssyncadd.s32 $0xFFFFC000  }
0xb2: {  	[spmem:s2] =	stream.indirect.scatter.add.f32 [tilespmem:s23], [sflag:$0x8], $0x80, s17, s16, $0xb8;
	[tilespmem:$0x1FF00] =	vst v63  }
0xb3: {  	_ =	swait.ge [sflag:s29], $0x4000  }
0xb4: {  	[sflag:s29] =	ssyncset.done $0x0  }
0xb5: {  	s5 =	simm.s32 $0x7;
	[sflag:s29] =	ssyncadd.s32 $0xFFFFC000  }
0xb6: {  	[spmem:s2] =	stream.indirect.scatter.add.f32 [tilespmem:s25], [sflag:$0x9], $0x80, s19, s16, $0xb8;
	[tilespmem:$0x1FF00] =	vst v63  }
0xb7: {  	_ =	swait.ge [sflag:s5], $0x4000  }
0xb8: {  	[sflag:s5] =	ssyncset.done $0x0  }
0xb9: {  	s7 =	simm.s32 $0x8;
	[sflag:s5] =	ssyncadd.s32 $0xFFFFC000  }
0xba: {  	_ =	swait.ge [sflag:s7], $0x4000  }
0xbb: {  	[sflag:s7] =	ssyncset.done $0x0  }
0xbc: {  	s8 =	simm.s32 $0x9;
	[sflag:s7] =	ssyncadd.s32 $0xFFFFC000  }
0xbd: {  	_ =	swait.ge [sflag:s8], $0x4000  }
0xbe: {  	[sflag:s8] =	ssyncset.done $0x0  }
0xbf: {  	[sflag:s8] =	ssyncadd.s32 $0xFFFFC000  }
0xc0: {  	[bflag:$0x0] =	sbarrier.arrive $0xFFFF  }
0xc1: {  	s30 =	rddreg [dreg:$0x7]  }
0xc2: {  	[hbm:s30], [sflag:s6] =	dma.local [spmem:s13], $0x2780  }
0xc3: {  	_ =	swait.ge [sflag:s14], $0x2780  }
0xc4: {  	s1 =	sadd.s32 $0x1, s1;
	s31 =	rddreg [dreg:$0x8]  }
0xc5: {  	p0 =	sne.s32 s1, s31  }
.Ltmp1:
0xc6: {  	_ = 	snop;
	(pc) =	sbr.rel @p0 .LBB2_1-.Ltmp1, $3  }
0xc7: {  	_ =	sdelay $0x1  }
0xc8: {  	[sflag:s14] =	ssyncset.done $0x0  }
0xc9: {  	[sflag:s14] =	ssyncadd.s32 $0xFFFFD880  }
0xca: {  	_ =	sfence.sel $0x180000  }
0xcb: {  	[bflag:$0x0] =	sbarrier.arrive $0xFFFF  }
0xcc: {  	_ =	strace $0x9000004A  }
0xcd: {  	s0 =	stileid.u32;
	[bflag:$0x2] =	sbarrier.arrive $0xFFFF  }
0xce: {  	p0 =	sne.s32 s0, $0x0;
	s0 =	rddreg [dreg:$0x3]  }
0xcf: {  	s0 =	sadd.s32 @!p0 $0x100000, s0  }
0xd0: {  	[sflag:s0] =	ssyncadd.tile.s32 @!p0 $0x1;
	_ =	shalt  }
.Lfunc_end2:
_tile_overlayer_lowered:
.L_overlay_start_2:
0xd1: {  	(tag) =	ssettag $0x2  }
0xd2: {  	s0 =	rddreg [dreg:$0x0];
	s2 =	stileid.u32  }
0xd3: {  	s1 =	rddreg [dreg:$0x1];
	p0 =	sne.s32 s2, $0x0  }
0xd4: {  	s3 =	rddreg [dreg:$0x2];
	[bflag:$0x3] =	sbarrier.arrive $0xFFFF;
	s2 =	simm.s32 @!p0 $0x1C0A  }
0xd5: {  	[timem:s3], [sflag:s2] =	dma.local @!p0 [hbm:s0], s1  }
0xd6: {  	s0 =	simm.s32 @!p0 $0xA  }
0xd7: {  	_ =	swait.ge @!p0 [sflag:s0], s1  }
0xd8: {  	s1 =	ssub.s32 @!p0 $0x0, s1;
	[sflag:s0] =	ssyncset.done @!p0 $0x0  }
0xd9: {  	[sflag:s0] =	ssyncadd.s32 @!p0 s1  }
0xda: {  	[bflag:$0x3] =	sbarrier.arrive $0xFFFF  }
0xdb: {  	_ =	shalt  }

// kernel: kernel.15.cloned.1.call-start
scs
__scs_entry_jumppad:
0x0: {  	(pc) =	sbr.rel $0x88, $3  }
0x1: {  	(tag) =	ssettag $0x0;
	lr =	simm.s32 $0x1  }
0x2: {  	[smem:$0x3F99] =	sst lr;
	_ =	strace $0xD0000000  }
0x3: {  	_ = 	snop  }
0x4: {  	_ = 	snop  }
0x5: {  	_ = 	snop  }
0x6: {  	_ = 	snop  }
0x7: {  	_ = 	snop  }
__scs_overlays_trampoline_lowered:
0x8: {  	[smem:$0x3FA8] =	sst s0  }
0x9: {  	[smem:$0x3FA9] =	sst s1  }
0xa: {  	[smem:$0x3FAA] =	sst s2  }
0xb: {  	[smem:$0x3FAB] =	sst s3  }
0xc: {  	[smem:$0x3FAC] =	sst s4  }
0xd: {  	[smem:$0x3FAD] =	sst s5  }
0xe: {  	[smem:$0x3FAE] =	sst s6  }
0xf: {  	[smem:$0x3FAF] =	sst s7  }
0x10: {  	[smem:$0x3FB0] =	sst s8  }
0x11: {  	[smem:$0x3FB1] =	sst s9;
	s0 =	simm.s32 @!p0 $0x0  }
0x12: {  	s1 =	sld [smem:$0x3F97];
	s0 =	simm.s32 @p0 $0x1  }
0x13: {  	[smem:$0x3FB2] =	sst s0;
	s0 =	simm.s32 @!p1 $0x0  }
0x14: {  	s2 =	sld [smem:$0x3F96];
	s0 =	simm.s32 @p1 $0x1  }
0x15: {  	[smem:$0x3FB3] =	sst s0;
	s0 =	simm.s32 @!p2 $0x0  }
0x16: {  	s3 =	sld [smem:$0x3FDB];
	s0 =	simm.s32 @p2 $0x1  }
0x17: {  	s4 =	simm.s32 $0x1BF5;
	[smem:$0x3FB5] =	sst s0  }
0x18: {  	s0 =	sld [smem:$0x3F98];
	_ =	swait.ge [sflag:s4], $0x0  }
0x19: {  	s7 =	sld [smem:$0x3F99]  }
0x1a: {  	s8 =	sadd.s32 $0xFFFFE003, lr  }
0x1b: {  	s9 =	sadd.s32 $0xFFFFFEF7, lr;
	s5 =	simm.s32 $0xFFFFFFFF;
	p2 =	slt.u32 s8, $0xFFFFF086  }
0x1c: {  	p1 =	slt.u32 s9, $0xF7A;
	s5 =	simm.s32 @!p2 $0x0  }
0x1d: {  	s5 =	simm.s32 @p1 $0x1;
	p0 =	seq.s32 s7, s2  }
0x1e: {  	s7 =	smul.u32 @!p0 $0xF7A, s2;
	p2 =	seq.s32 @!p0 s5, $0x0  }
0x1f: {  	s9 =	smul.u32 $0xF7A, s1;
	s8 =	simm.s32 @!p0 $0x1BF5;
	p2 =	por !p2, p0  }
0x20: {  	[sflag:s8] =	ssyncset.s32 @!p0 $0xFFFFF086;
	s6 =	sadd.s32 @!p0 s3, s7;
	s7 =	simm.s32 @!p0 $0x108  }
0x21: {  	s3 =	sadd.s32 s3, s9;
	s6 =	sadd.s32 @!p0 $0x88, s6;
	s7 =	simm.s32 @p2 $0x1082  }
0x22: {  	[simem:s7], [sflag:s8] =	dma.local @!p0 [hbm:s6], $0xF7A  }
0x23: {  	s9 =	sor.u32 $0xD0000000, s2;
	s6 =	simm.s32 $0x108;
	_ =	swait.ge @!p0 [sflag:s8], $0x0  }
0x24: {  	s3 =	sadd.s32 $0x88, s3;
	s6 =	simm.s32 @!p1 $0x1082;
	[sflag:s4] =	ssyncset.s32 $0xFFFFF086  }
0x25: {  	[simem:s6], [sflag:s4] =	dma.local [hbm:s3], $0xF7A  }
0x26: {  	[smem:$0x3F99] =	sst s1;
	(tag) =	ssettag s2;
	_ =	strace s9  }
0x27: {  	s1 =	sld [smem:$0x3FA9]  }
0x28: {  	s2 =	sld [smem:$0x3FAA]  }
0x29: {  	s4 =	sld [smem:$0x3FAC]  }
0x2a: {  	p0 =	seq.s32 s5, $0x0;
	s5 =	sld [smem:$0x3FAD]  }
0x2b: {  	s6 =	sld [smem:$0x3FAE]  }
0x2c: {  	s7 =	sld [smem:$0x3FAF]  }
0x2d: {  	s3 =	simm.s32 $0x108;
	s8 =	sld [smem:$0x3FB0]  }
0x2e: {  	s3 =	simm.s32 @!p0 $0x1082;
	s9 =	sld [smem:$0x3FB1]  }
0x2f: {  	lr =	sadd.s32 s0, s3;
	s0 =	sld [smem:$0x3FA8]  }
0x30: {  	s3 =	sld [smem:$0x3FAB]  }
0x31: {  	[smem:$0x3FB4] =	sst s10  }
0x32: {  	s10 =	sld [smem:$0x3FB2];
	_ =	sdelay $0x3  }
0x33: {  	p0 =	seq.s32 s10, $0x1;
	s10 =	sld [smem:$0x3FB4];
	_ =	sdelay $0x3  }
0x34: {  	[smem:$0x3FB4] =	sst s10  }
0x35: {  	s10 =	sld [smem:$0x3FB3];
	_ =	sdelay $0x3  }
0x36: {  	p1 =	seq.s32 s10, $0x1;
	s10 =	sld [smem:$0x3FB4];
	_ =	sdelay $0x3  }
0x37: {  	[smem:$0x3FB4] =	sst s10  }
0x38: {  	s10 =	sld [smem:$0x3FB5]  }
0x39: {  	_ = 	snop;
	(pc) =	sbr.ind lr, $3  }
0x3a: {  	_ = 	snop  }
0x3b: {  	_ = 	snop  }
0x3c: {  	p2 =	seq.s32 s10, $0x1;
	s10 =	sld [smem:$0x3FB4]  }
0x3d: {  	_ =	shalt  }
0x3e: {  	_ =	shalt  }
0x3f: {  	_ =	shalt  }
0x40: {  	_ =	shalt  }
0x41: {  	_ =	shalt  }
0x42: {  	_ =	shalt  }
0x43: {  	_ =	shalt  }
0x44: {  	_ =	shalt  }
0x45: {  	_ =	shalt  }
0x46: {  	_ =	shalt  }
0x47: {  	_ =	shalt  }
0x48: {  	_ =	shalt  }
0x49: {  	_ =	shalt  }
0x4a: {  	_ =	shalt  }
0x4b: {  	_ =	shalt  }
0x4c: {  	_ =	shalt  }
0x4d: {  	_ =	shalt  }
0x4e: {  	_ =	shalt  }
0x4f: {  	_ =	shalt  }
0x50: {  	_ =	shalt  }
0x51: {  	_ =	shalt  }
0x52: {  	_ =	shalt  }
0x53: {  	_ =	shalt  }
0x54: {  	_ =	shalt  }
0x55: {  	_ =	shalt  }
0x56: {  	_ =	shalt  }
0x57: {  	_ =	shalt  }
0x58: {  	_ =	shalt  }
0x59: {  	_ =	shalt  }
0x5a: {  	_ =	shalt  }
0x5b: {  	_ =	shalt  }
0x5c: {  	_ =	shalt  }
0x5d: {  	_ =	shalt  }
0x5e: {  	_ =	shalt  }
0x5f: {  	_ =	shalt  }
0x60: {  	_ =	shalt  }
0x61: {  	_ =	shalt  }
0x62: {  	_ =	shalt  }
0x63: {  	_ =	shalt  }
0x64: {  	_ =	shalt  }
0x65: {  	_ =	shalt  }
0x66: {  	_ =	shalt  }
0x67: {  	_ =	shalt  }
0x68: {  	_ =	shalt  }
0x69: {  	_ =	shalt  }
0x6a: {  	_ =	shalt  }
0x6b: {  	_ =	shalt  }
0x6c: {  	_ =	shalt  }
0x6d: {  	_ =	shalt  }
0x6e: {  	_ =	shalt  }
0x6f: {  	_ =	shalt  }
0x70: {  	_ =	shalt  }
0x71: {  	_ =	shalt  }
0x72: {  	_ =	shalt  }
0x73: {  	_ =	shalt  }
0x74: {  	_ =	shalt  }
0x75: {  	_ =	shalt  }
0x76: {  	_ =	shalt  }
0x77: {  	_ =	shalt  }
0x78: {  	_ =	shalt  }
0x79: {  	_ =	shalt  }
0x7a: {  	_ =	shalt  }
0x7b: {  	_ =	shalt  }
0x7c: {  	_ =	shalt  }
0x7d: {  	_ =	shalt  }
0x7e: {  	_ =	shalt  }
0x7f: {  	_ =	shalt  }
0x80: {  	_ =	shalt  }
0x81: {  	_ =	shalt  }
0x82: {  	_ =	shalt  }
0x83: {  	_ =	shalt  }
0x84: {  	_ =	shalt  }
0x85: {  	_ =	shalt  }
0x86: {  	_ =	shalt  }
0x87: {  	_ =	shalt  }
.Lfunc_end0:
.L_simem_size_0:
called_computation.2_lowered:
.L_overlay_start_0:
0x88: {  	s2 =	sld [smem:$0x3FD9]  }
0x89: {  	s3 =	sld [smem:$0x3FFE];
	_ =	sdelay $0x1  }
0x8a: {  	s1 =	srdreg.scid  }
0x8b: {  	s0 =	sand.u32 $0x1, s1  }
0x8c: {  	s17 =	sshll.u32 s0, $0xA;
	s2 =	sadd.s32 s3, s2  }
0x8d: {  	s2 =	sadd.s32 s2, s17  }
0x8e: {  	[smem:$0x3FC0] =	sst s2  }
0x8f: {  	_ = 	snop  }
0x90: {  	s2 =	sld [smem:$0x3FD0];
	(tm) =	ssettm $0x1  }
0x91: {  	s18 =	sld [smem:$0x3FFB];
	_ =	sdelay $0x3  }
0x92: {  	_ =	strace s18  }
0x93: {  	s3 =	sld [smem:$0x3FFC];
	_ =	sdelay $0x3  }
0x94: {  	_ =	strace s3  }
0x95: {  	s3 =	sld [smem:$0x3FFD];
	_ =	sdelay $0x3  }
0x96: {  	_ =	strace s3  }
0x97: {  	_ =	strace $0x8FFFFFFF  }
0x98: {  	s19 =	sld [smem:$0x3FDB];
	_ =	sdelay $0x1  }
0x99: {  	s4 =	simm.s32 $_scs_section_size  }
0x9a: {  	s5 =	simm.s32 $_size__tile_overlayer_lowered;
	s6 =	simm.s32 $_tile_overlayer_lowered  }
0x9b: {  	s22 =	simm.s32 $0x1BFF;
	s21 =	sshll.u32 s6, $0x1;
	s3 =	sadd.s32 s4, s19  }
0x9c: {  	s7 =	simm.s32 $0x0;
	s20 =	sshll.u32 s5, $0x1;
	s5 =	sadd.s32 s21, s3  }
0x9d: {  	[timem:s7], [sflag:s22] =	dma.local [hbm:s5], s20  }
0x9e: {  	_ =	swait.ge [sflag:s22], s20  }
0x9f: {  	s4 =	ssub.s32 $0x0, s20;
	[sflag:s22] =	ssyncset.done $0x0  }
0xa0: {  	[sflag:s22] =	ssyncadd.s32 s4;
	_ =	sdelay $0x1  }
0xa1: {  	s23 =	simm.s32 $0x1B8B  }
0xa2: {  	_ =	swait.ge [sflag:s23], $0x1  }
0xa3: {  	[sflag:s23] =	ssyncset.done $0x0  }
0xa4: {  	s25 =	simm.s32 $0x1B8E;
	s24 =	sld [smem:$0x3FFE];
	[sflag:s23] =	ssyncadd.s32 $0xFFFFFFFF  }
0xa5: {  	s26 =	simm.s32 $execute0_lowered;
	[smem:$0x3FD2] =	sst s25  }
0xa6: {  	s5 =	sshll.u32 s26, $0x1;
	_ =	strace $0x8000004C;
	[dreg:$0x1] =	wrdreg $0xFFFFFFFF  }
0xa7: {  	s28 =	simm.s32 $_size_execute0_lowered;
	s3 =	sadd.s32 s3, s5;
	[dreg:$0x0] =	wrdreg $0x0  }
0xa8: {  	s5 =	sshll.u32 s28, $0x1;
	[dreg:$0x2] =	wrdreg s3  }
0xa9: {  	[dreg:$0x3] =	wrdreg s5  }
0xaa: {  	[dreg:$0x4] =	wrdreg $0xC0  }
0xab: {  	_ =	task [dreg:s7], $0x5FFFF  }
0xac: {  	[dreg:$0x1] =	wrdreg $0xFFFFFFFF  }
0xad: {  	[dreg:$0x0] =	wrdreg $0x60  }
0xae: {  	[dreg:$0x2] =	wrdreg s24  }
0xaf: {  	[dreg:$0x3] =	wrdreg s2  }
0xb0: {  	[dreg:$0x4] =	wrdreg $0xC3000  }
0xb1: {  	[dreg:$0x5] =	wrdreg $0x9  }
0xb2: {  	_ =	task.clear_ibuf [dreg:s7], $0x6FFFF;
	_ =	strace $0x9000004C  }
0xb3: {  	s29 =	simm.s32 $0x9;
	_ =	strace $0x8000004E  }
0xb4: {  	_ =	swait.ge [sflag:s29], $0x1  }
0xb5: {  	[sflag:s29] =	ssyncadd.s32 $0xFFFFFFFF  }
0xb6: {  	_ =	strace $0x9000004E  }
0xb7: {  	_ =	sfence  }
0xb8: {  	s30 =	sld [smem:$0x0];
	_ =	sdelay $0x2  }
0xb9: {  	s31 =	sshll.u32 s1, $0xD;
	s1 =	sshrl.u32 s1, $0x2  }
0xba: {  	s3 =	sand.u32 $0x4000, s31;
	s1 =	sadd.s32 s1, s30  }
0xbb: {  	s0 =	sor.u32 s3, s0;
	s1 =	sshll.u32 s1, $0x11  }
0xbc: {  	s0 =	sor.u32 s1, s0  }
0xbd: {  	s0 =	sadd.s32 $0x8F2B, s0  }
0xbe: {  	[sflag:s0] =	ssyncadd.remote.s32 $0x1  }
0xbf: {  	_ =	sfence.sel $0xFFFF  }
0xc0: {  	[dreg:$0x0] =	wrdreg $0xFFFFFFFF;
	(pc) =	sbr.abs _section_cstart, $3  }
0xc1: {  	[dreg:$0x1] =	wrdreg $0xFFFFFFFF  }
0xc2: {  	_ =	task.clear_ibuf [dreg:s7], $0x2FFFF;
	_ =	strace $0x9FFFFFFF  }
0xc3: {  	(tm) =	ssettm $0x7FFFFFFF  }
tec
execute0_lowered:
.L_overlay_start_1:
0x0: {  	(tag) =	ssettag $0x1  }
0x1: {  	s0 =	rddreg [dreg:$0x0]  }
0x2: {  	s1 =	rddreg [dreg:$0x1]  }
0x3: {  	s2 =	rddreg [dreg:$0x2]  }
0x4: {  	s3 =	simm.s32 $0x0;
	s4 =	srdreg.scid;
	s14 =	stileid.u32  }
0x5: {  	s15 =	simm.s32 $0x180;
	s16 =	simm.s32 $0x80;
	s17 =	simm.s32 $0x200  }
0x6: {  	s18 =	simm.s32 $0x100;
	s19 =	simm.s32 $0x280;
	s28 =	simm.s32 $0x5  }
0x7: {  	s29 =	simm.s32 $0x6;
	[smem:$0x7FF] =	sst s3;
	s5 =	sand.u32 $0x1, s4  }
0x8: {  	s6 =	smul.u32 $0x4F000, s14;
	s4 =	sadd.s32 $0x69600, s0;
	s12 =	sadd.s32 $0xDC00, s0  }
0x9: {  	s11 =	sadd.s32 $0x3A00, s0;
	s0 =	sadd.s32 $0x17E00, s0;
	s21 =	smul.u32 $0x2880, s14  }
0xa: {  	s10 =	smul.u32 $0x13C00, s14;
	s22 =	sshll.u32 s14, $0x6;
	s14 =	simm.s32 $0xA  }
0xb: {  	_ =	strace $0x8000004D;
	s7 =	smul.u32 $0x13C000, s5;
	s20 =	ssub.s32 $0x2, s5  }
0xc: {  	s8 =	smul.u32 $0x28800, s5;
	s9 =	sshrl.u32 s20, $0x1;
	s6 =	sshrl.u32 s6, $0x2  }
0xd: {  	[dreg:$0x6] =	wrdreg s0;
	s0 =	ssub.s32 s20, s9;
	s13 =	sadd.s32 s6, s2  }
0xe: {  	s5 =	sadd.s32 s21, s8;
	s7 =	sadd.s32 s10, s7;
	s6 =	sor.u32 $0x1C0A, s22  }
0xf: {  	s20 =	simm.s32 $0x1;
	s21 =	simm.s32 $0x300;
	s22 =	simm.s32 $0x2  }
0x10: {  	s8 =	sadd.s32 $0x100, s5;
	s7 =	sshrl.u32 s7, $0x3;
	s0 =	smax.u32 s0, $0x1  }
0x11: {  	s26 =	sadd.s32 $0x80, s5;
	s31 =	sshrl.u32 s5, $0x3;
	s13 =	sshrl.u32 s13, $0x3  }
0x12: {  	s23 =	sshrl.u32 s8, $0x3;
	s1 =	sadd.s32 s1, s7;
	[dreg:$0x8] =	wrdreg s0  }
0x13: {  	s30 =	sshrl.u32 s26, $0x3;
	s26 =	simm.s32 $0x4;
	[dreg:$0x7] =	wrdreg s1  }
0x14: {  	s24 =	sadd.s32 s23, s11;
	s25 =	sadd.s32 s23, s12;
	s9 =	sadd.s32 s30, s11  }
0x15: {  	s10 =	sadd.s32 s30, s12;
	s11 =	sadd.s32 s31, s11;
	s12 =	sadd.s32 s31, s12  }
0x16: {  	s23 =	simm.s32 $0x4300;
	s1 =	simm.s32 $0x0;
	[dreg:$0x4] =	wrdreg s24  }
0x17: {  	[dreg:$0x5] =	wrdreg s25;
	s24 =	simm.s32 $0x3;
	s25 =	simm.s32 $0x8300  }
.LBB2_1:
0x18: {  	s0 =	rddreg [dreg:$0x6]  }
0x19: {  	[spmem:s13], [sflag:s6] =	dma.local [hbm:s0], $0x2780  }
0x1a: {  	_ =	swait.ge [sflag:s14], $0x2780  }
0x1b: {  	[sflag:s14] =	ssyncset.done $0x0  }
0x1c: {  	p0 =	por $0x1, $0x1;
	[sflag:s14] =	ssyncadd.s32 $0xFFFFD880  }
0x1d: {  	s5 =	simm.s32 @!p0 $0x7;
	[bflag:$0x0] =	sbarrier.arrive $0xFFFF  }
0x1e: {  	_ =	swait.ge @!p0 [sflag:s5], $0x4000  }
0x1f: {  	[sflag:s5] =	ssyncset.done @!p0 $0x0  }
0x20: {  	s31 =	sadd.s32 $0x0, s12;
	[sflag:s5] =	ssyncadd.s32 @!p0 $0xFFFFC000  }
0x21: {  	[tilespmem:s3], [sflag:$0x1] =	stream.linear.gather [hbm4b:s31+s3], $0x80, $0x38;
	[tilespmem:$0x1FF00] =	vst v63  }
0x22: {  	s0 =	sadd.s32 $0x0, s11;
	s7 =	simm.s32 @!p0 $0x8  }
0x23: {  	[tilespmem:s15], [sflag:$0x1] =	stream.linear.gather [hbm4b:s0+s3], $0x80, $0x38;
	[tilespmem:$0x1FF00] =	vst v63  }
0x24: {  	_ =	swait.ge @!p0 [sflag:s7], $0x4000  }
0x25: {  	[sflag:s7] =	ssyncset.done @!p0 $0x0  }
0x26: {  	[sflag:s7] =	ssyncadd.s32 @!p0 $0xFFFFC000;
	s7 =	sadd.s32 $0x0, s10  }
0x27: {  	[tilespmem:s16], [sflag:$0x2] =	stream.linear.gather [hbm4b:s7+s3], $0x80, $0x38;
	[tilespmem:$0x1FF00] =	vst v63  }
0x28: {  	s8 =	sadd.s32 $0x0, s9;
	s7 =	simm.s32 @!p0 $0x9  }
0x29: {  	[tilespmem:s17], [sflag:$0x2] =	stream.linear.gather [hbm4b:s8+s3], $0x80, $0x38;
	[tilespmem:$0x1FF00] =	vst v63  }
0x2a: {  	_ =	swait.ge @!p0 [sflag:s7], $0x4000  }
0x2b: {  	s30 =	rddreg [dreg:$0x5];
	[sflag:s7] =	ssyncset.done @!p0 $0x0  }
0x2c: {  	s8 =	rddreg [dreg:$0x4];
	[sflag:s7] =	ssyncadd.s32 @!p0 $0xFFFFC000;
	s5 =	sadd.s32 $0x0, s30  }
0x2d: {  	[tilespmem:s18], [sflag:$0x3] =	stream.linear.gather [hbm4b:s5+s3], $0x80, $0x38;
	[tilespmem:$0x1FF00] =	vst v63  }
0x2e: {  	s31 =	sadd.s32 $0x0, s8  }
0x2f: {  	[tilespmem:s19], [sflag:$0x3] =	stream.linear.gather [hbm4b:s31+s3], $0x80, $0x38;
	[tilespmem:$0x1FF00] =	vst v63  }
0x30: {  	_ =	swait.ge [sflag:s20], $0x80  }
0x31: {  	[sflag:s20] =	ssyncset.done $0x0  }
0x32: {  	[sflag:s20] =	ssyncadd.s32 $0xFFFFFF80  }
0x33: {  	_ =	swait.ge [sflag:s20], $0x80  }
0x34: {  	[sflag:s20] =	ssyncset.done $0x0  }
0x35: {  	[sflag:s20] =	ssyncadd.s32 $0xFFFFFF80  }
0x36: {  	[tilespmem:s21], [sflag:$0x4] =	stream.indirect.gather [hbm4b:s4+s16], $0x80, s3, s16, $0xb8;
	[tilespmem:$0x1FF00] =	vst v63  }
0x37: {  	_ =	swait.ge [sflag:s22], $0x80  }
0x38: {  	[sflag:s22] =	ssyncset.done $0x0  }
0x39: {  	[sflag:s22] =	ssyncadd.s32 $0xFFFFFF80  }
0x3a: {  	_ =	swait.ge [sflag:s22], $0x80  }
0x3b: {  	[sflag:s22] =	ssyncset.done $0x0  }
0x3c: {  	[sflag:s22] =	ssyncadd.s32 $0xFFFFFF80  }
0x3d: {  	[tilespmem:s23], [sflag:$0x5] =	stream.indirect.gather [hbm4b:s4+s16], $0x80, s16, s16, $0xb8;
	[tilespmem:$0x1FF00] =	vst v63  }
0x3e: {  	_ =	swait.ge [sflag:s24], $0x80  }
0x3f: {  	[sflag:s24] =	ssyncset.done $0x0  }
0x40: {  	[sflag:s24] =	ssyncadd.s32 $0xFFFFFF80  }
0x41: {  	_ =	swait.ge [sflag:s24], $0x80  }
0x42: {  	[sflag:s24] =	ssyncset.done $0x0  }
0x43: {  	[sflag:s24] =	ssyncadd.s32 $0xFFFFFF80  }
0x44: {  	[tilespmem:s25], [sflag:$0x6] =	stream.indirect.gather [hbm4b:s4+s16], $0x80, s18, s16, $0xb8;
	[tilespmem:$0x1FF00] =	vst v63  }
0x45: {  	_ =	swait.ge [sflag:s26], $0x4000  }
0x46: {  	[sflag:s26] =	ssyncset.done $0x0  }
0x47: {  	[sflag:s26] =	ssyncadd.s32 $0xFFFFC000  }
0x48: {  	[spmem:s2] =	stream.indirect.scatter.add.f32 [tilespmem:s21], [sflag:$0x7], $0x80, s15, s16, $0xb8;
	[tilespmem:$0x1FF00] =	vst v63  }
0x49: {  	_ =	swait.ge [sflag:s28], $0x4000  }
0x4a: {  	[sflag:s28] =	ssyncset.done $0x0  }
0x4b: {  	[sflag:s28] =	ssyncadd.s32 $0xFFFFC000  }
0x4c: {  	[spmem:s2] =	stream.indirect.scatter.add.f32 [tilespmem:s23], [sflag:$0x8], $0x80, s17, s16, $0xb8;
	[tilespmem:$0x1FF00] =	vst v63  }
0x4d: {  	p1 =	por $0x0, $0x0;
	_ =	swait.ge [sflag:s29], $0x4000  }
0x4e: {  	s7 =	simm.s32 $0x60;
	s5 =	simm.s32 $0x30;
	[sflag:s29] =	ssyncset.done $0x0  }
.LBB2_2:
0x4f: {  	s8 =	simm.s32 @!p1 $0x7;
	[sflag:s29] =	ssyncadd.s32 $0xFFFFC000  }
0x50: {  	[spmem:s2] =	stream.indirect.scatter.add.f32 [tilespmem:s25], [sflag:$0x9], $0x80, s19, s16, $0xb8;
	[tilespmem:$0x1FF00] =	vst v63  }
0x51: {  	_ =	swait.ge @!p1 [sflag:s8], $0x4000  }
0x52: {  	[sflag:s8] =	ssyncset.done @!p1 $0x0  }
0x53: {  	s31 =	sadd.s32 s5, s12;
	[sflag:s8] =	ssyncadd.s32 @!p1 $0xFFFFC000  }
0x54: {  	[tilespmem:s3], [sflag:$0x1] =	stream.linear.gather [hbm4b:s31+s3], $0x80, $0x38;
	[tilespmem:$0x1FF00] =	vst v63  }
0x55: {  	s0 =	sadd.s32 s5, s11;
	s31 =	simm.s32 @!p1 $0x8  }
0x56: {  	[tilespmem:s15], [sflag:$0x1] =	stream.linear.gather [hbm4b:s0+s3], $0x80, $0x38;
	[tilespmem:$0x1FF00] =	vst v63  }
0x57: {  	_ =	swait.ge @!p1 [sflag:s31], $0x4000  }
0x58: {  	[sflag:s31] =	ssyncset.done @!p1 $0x0  }
0x59: {  	[sflag:s31] =	ssyncadd.s32 @!p1 $0xFFFFC000;
	s31 =	sadd.s32 s5, s10  }
0x5a: {  	[tilespmem:s16], [sflag:$0x2] =	stream.linear.gather [hbm4b:s31+s3], $0x80, $0x38;
	[tilespmem:$0x1FF00] =	vst v63  }
0x5b: {  	s0 =	sadd.s32 s5, s9;
	s31 =	simm.s32 @!p1 $0x9  }
0x5c: {  	[tilespmem:s17], [sflag:$0x2] =	stream.linear.gather [hbm4b:s0+s3], $0x80, $0x38;
	[tilespmem:$0x1FF00] =	vst v63  }
0x5d: {  	_ =	swait.ge @!p1 [sflag:s31], $0x4000  }
0x5e: {  	s8 =	rddreg [dreg:$0x5];
	[sflag:s31] =	ssyncset.done @!p1 $0x0  }
0x5f: {  	s0 =	rddreg [dreg:$0x4];
	[sflag:s31] =	ssyncadd.s32 @!p1 $0xFFFFC000;
	s8 =	sadd.s32 s5, s8  }
0x60: {  	[tilespmem:s18], [sflag:$0x3] =	stream.linear.gather [hbm4b:s8+s3], $0x80, $0x38;
	[tilespmem:$0x1FF00] =	vst v63  }
0x61: {  	s0 =	sadd.s32 s5, s0  }
0x62: {  	[tilespmem:s19], [sflag:$0x3] =	stream.linear.gather [hbm4b:s0+s3], $0x80, $0x38;
	[tilespmem:$0x1FF00] =	vst v63  }
0x63: {  	_ =	swait.ge [sflag:s20], $0x80  }
0x64: {  	[sflag:s20] =	ssyncset.done $0x0  }
0x65: {  	[sflag:s20] =	ssyncadd.s32 $0xFFFFFF80  }
0x66: {  	_ =	swait.ge [sflag:s20], $0x80  }
0x67: {  	[sflag:s20] =	ssyncset.done $0x0  }
0x68: {  	[sflag:s20] =	ssyncadd.s32 $0xFFFFFF80  }
0x69: {  	[tilespmem:s21], [sflag:$0x4] =	stream.indirect.gather [hbm4b:s4+s16], $0x80, s3, s16, $0xb8;
	[tilespmem:$0x1FF00] =	vst v63  }
0x6a: {  	_ =	swait.ge [sflag:s22], $0x80  }
0x6b: {  	[sflag:s22] =	ssyncset.done $0x0  }
0x6c: {  	[sflag:s22] =	ssyncadd.s32 $0xFFFFFF80  }
0x6d: {  	_ =	swait.ge [sflag:s22], $0x80  }
0x6e: {  	[sflag:s22] =	ssyncset.done $0x0  }
0x6f: {  	[sflag:s22] =	ssyncadd.s32 $0xFFFFFF80  }
0x70: {  	[tilespmem:s23], [sflag:$0x5] =	stream.indirect.gather [hbm4b:s4+s16], $0x80, s16, s16, $0xb8;
	[tilespmem:$0x1FF00] =	vst v63  }
0x71: {  	_ =	swait.ge [sflag:s24], $0x80  }
0x72: {  	[sflag:s24] =	ssyncset.done $0x0  }
0x73: {  	[sflag:s24] =	ssyncadd.s32 $0xFFFFFF80  }
0x74: {  	_ =	swait.ge [sflag:s24], $0x80  }
0x75: {  	[sflag:s24] =	ssyncset.done $0x0  }
0x76: {  	[sflag:s24] =	ssyncadd.s32 $0xFFFFFF80  }
0x77: {  	[tilespmem:s25], [sflag:$0x6] =	stream.indirect.gather [hbm4b:s4+s16], $0x80, s18, s16, $0xb8;
	[tilespmem:$0x1FF00] =	vst v63  }
0x78: {  	_ =	swait.ge [sflag:s26], $0x4000  }
0x79: {  	[sflag:s26] =	ssyncset.done $0x0  }
0x7a: {  	s30 =	smov.u32 s7;
	s7 =	sadd.s32 $0x30, s7;
	[sflag:s26] =	ssyncadd.s32 $0xFFFFC000  }
0x7b: {  	[spmem:s2] =	stream.indirect.scatter.add.f32 [tilespmem:s21], [sflag:$0x7], $0x80, s15, s16, $0xb8;
	[tilespmem:$0x1FF00] =	vst v63  }
0x7c: {  	p0 =	sne.s32 s7, $0x510;
	_ =	swait.ge [sflag:s28], $0x4000  }
.Ltmp0:
0x7d: {  	[sflag:s28] =	ssyncset.done $0x0;
	(pc) =	sbr.rel @p0 .LBB2_2-.Ltmp0, $4  }
0x7e: {  	[sflag:s28] =	ssyncadd.s32 $0xFFFFC000  }
0x7f: {  	[spmem:s2] =	stream.indirect.scatter.add.f32 [tilespmem:s23], [sflag:$0x8], $0x80, s17, s16, $0xb8;
	[tilespmem:$0x1FF00] =	vst v63  }
0x80: {  	s5 =	smov.u32 s30;
	_ =	swait.ge [sflag:s29], $0x4000  }
0x81: {  	p1 =	seq.s32 s5, $0x0;
	[sflag:s29] =	ssyncset.done $0x0  }
0x82: {  	s0 =	simm.s32 @!p1 $0x7;
	[sflag:s29] =	ssyncadd.s32 $0xFFFFC000  }
0x83: {  	[spmem:s2] =	stream.indirect.scatter.add.f32 [tilespmem:s25], [sflag:$0x9], $0x80, s19, s16, $0xb8;
	[tilespmem:$0x1FF00] =	vst v63  }
0x84: {  	_ =	swait.ge @!p1 [sflag:s0], $0x4000  }
0x85: {  	[sflag:s0] =	ssyncset.done @!p1 $0x0  }
0x86: {  	s30 =	sadd.s32 s5, s12;
	[sflag:s0] =	ssyncadd.s32 @!p1 $0xFFFFC000  }
0x87: {  	[tilespmem:s3], [sflag:$0x1] =	stream.linear.gather [hbm4b:s30+s3], $0x80, $0x38;
	[tilespmem:$0x1FF00] =	vst v63  }
0x88: {  	s31 =	sadd.s32 s5, s11;
	s7 =	simm.s32 @!p1 $0x8  }
0x89: {  	[tilespmem:s15], [sflag:$0x1] =	stream.linear.gather [hbm4b:s31+s3], $0x80, $0x38;
	[tilespmem:$0x1FF00] =	vst v63  }
0x8a: {  	_ =	swait.ge @!p1 [sflag:s7], $0x4000  }
0x8b: {  	[sflag:s7] =	ssyncset.done @!p1 $0x0  }
0x8c: {  	[sflag:s7] =	ssyncadd.s32 @!p1 $0xFFFFC000;
	s7 =	sadd.s32 s5, s10  }
0x8d: {  	[tilespmem:s16], [sflag:$0x2] =	stream.linear.gather [hbm4b:s7+s3], $0x80, $0x38;
	[tilespmem:$0x1FF00] =	vst v63  }
0x8e: {  	s8 =	sadd.s32 s5, s9;
	s7 =	simm.s32 @!p1 $0x9  }
0x8f: {  	[tilespmem:s17], [sflag:$0x2] =	stream.linear.gather [hbm4b:s8+s3], $0x80, $0x38;
	[tilespmem:$0x1FF00] =	vst v63  }
0x90: {  	_ =	swait.ge @!p1 [sflag:s7], $0x4000  }
0x91: {  	s30 =	rddreg [dreg:$0x5];
	[sflag:s7] =	ssyncset.done @!p1 $0x0  }
0x92: {  	s8 =	rddreg [dreg:$0x4];
	[sflag:s7] =	ssyncadd.s32 @!p1 $0xFFFFC000;
	s0 =	sadd.s32 s5, s30  }
0x93: {  	[tilespmem:s18], [sflag:$0x3] =	stream.linear.gather [hbm4b:s0+s3], $0x80, $0x38;
	[tilespmem:$0x1FF00] =	vst v63  }
0x94: {  	s31 =	sadd.s32 s5, s8  }
0x95: {  	[tilespmem:s19], [sflag:$0x3] =	stream.linear.gather [hbm4b:s31+s3], $0x80, $0x38;
	[tilespmem:$0x1FF00] =	vst v63  }
0x96: {  	_ =	swait.ge [sflag:s20], $0x80  }
0x97: {  	[sflag:s20] =	ssyncset.done $0x0  }
0x98: {  	[sflag:s20] =	ssyncadd.s32 $0xFFFFFF80  }
0x99: {  	_ =	swait.ge [sflag:s20], $0x80  }
0x9a: {  	[sflag:s20] =	ssyncset.done $0x0  }
0x9b: {  	[sflag:s20] =	ssyncadd.s32 $0xFFFFFF80  }
0x9c: {  	[tilespmem:s21], [sflag:$0x4] =	stream.indirect.gather [hbm4b:s4+s16], $0x80, s3, s16, $0xb8;
	[tilespmem:$0x1FF00] =	vst v63  }
0x9d: {  	_ =	swait.ge [sflag:s22], $0x80  }
0x9e: {  	[sflag:s22] =	ssyncset.done $0x0  }
0x9f: {  	[sflag:s22] =	ssyncadd.s32 $0xFFFFFF80  }
0xa0: {  	_ =	swait.ge [sflag:s22], $0x80  }
0xa1: {  	[sflag:s22] =	ssyncset.done $0x0  }
0xa2: {  	[sflag:s22] =	ssyncadd.s32 $0xFFFFFF80  }
0xa3: {  	[tilespmem:s23], [sflag:$0x5] =	stream.indirect.gather [hbm4b:s4+s16], $0x80, s16, s16, $0xb8;
	[tilespmem:$0x1FF00] =	vst v63  }
0xa4: {  	_ =	swait.ge [sflag:s24], $0x80  }
0xa5: {  	[sflag:s24] =	ssyncset.done $0x0  }
0xa6: {  	[sflag:s24] =	ssyncadd.s32 $0xFFFFFF80  }
0xa7: {  	_ =	swait.ge [sflag:s24], $0x80  }
0xa8: {  	[sflag:s24] =	ssyncset.done $0x0  }
0xa9: {  	[sflag:s24] =	ssyncadd.s32 $0xFFFFFF80  }
0xaa: {  	[tilespmem:s25], [sflag:$0x6] =	stream.indirect.gather [hbm4b:s4+s16], $0x80, s18, s16, $0xb8;
	[tilespmem:$0x1FF00] =	vst v63  }
0xab: {  	_ =	swait.ge [sflag:s26], $0x4000  }
0xac: {  	[sflag:s26] =	ssyncset.done $0x0  }
0xad: {  	[sflag:s26] =	ssyncadd.s32 $0xFFFFC000  }
0xae: {  	[spmem:s2] =	stream.indirect.scatter.add.f32 [tilespmem:s21], [sflag:$0x7], $0x80, s15, s16, $0xb8;
	[tilespmem:$0x1FF00] =	vst v63  }
0xaf: {  	_ =	swait.ge [sflag:s28], $0x4000  }
0xb0: {  	[sflag:s28] =	ssyncset.done $0x0  }
0xb1: {  	[sflag:s28] =	ssyncadd.s32 $0xFFFFC000  }
0xb2: {  	[spmem:s2] =	stream.indirect.scatter.add.f32 [tilespmem:s23], [sflag:$0x8], $0x80, s17, s16, $0xb8;
	[tilespmem:$0x1FF00] =	vst v63  }
0xb3: {  	_ =	swait.ge [sflag:s29], $0x4000  }
0xb4: {  	[sflag:s29] =	ssyncset.done $0x0  }
0xb5: {  	s5 =	simm.s32 $0x7;
	[sflag:s29] =	ssyncadd.s32 $0xFFFFC000  }
0xb6: {  	[spmem:s2] =	stream.indirect.scatter.add.f32 [tilespmem:s25], [sflag:$0x9], $0x80, s19, s16, $0xb8;
	[tilespmem:$0x1FF00] =	vst v63  }
0xb7: {  	_ =	swait.ge [sflag:s5], $0x4000  }
0xb8: {  	[sflag:s5] =	ssyncset.done $0x0  }
0xb9: {  	s7 =	simm.s32 $0x8;
	[sflag:s5] =	ssyncadd.s32 $0xFFFFC000  }
0xba: {  	_ =	swait.ge [sflag:s7], $0x4000  }
0xbb: {  	[sflag:s7] =	ssyncset.done $0x0  }
0xbc: {  	s8 =	simm.s32 $0x9;
	[sflag:s7] =	ssyncadd.s32 $0xFFFFC000  }
0xbd: {  	_ =	swait.ge [sflag:s8], $0x4000  }
0xbe: {  	[sflag:s8] =	ssyncset.done $0x0  }
0xbf: {  	[sflag:s8] =	ssyncadd.s32 $0xFFFFC000  }
0xc0: {  	[bflag:$0x0] =	sbarrier.arrive $0xFFFF  }
0xc1: {  	s30 =	rddreg [dreg:$0x7]  }
0xc2: {  	[hbm:s30], [sflag:s6] =	dma.local [spmem:s13], $0x2780  }
0xc3: {  	_ =	swait.ge [sflag:s14], $0x2780  }
0xc4: {  	s1 =	sadd.s32 $0x1, s1;
	s31 =	rddreg [dreg:$0x8]  }
0xc5: {  	p0 =	sne.s32 s1, s31  }
.Ltmp1:
0xc6: {  	_ = 	snop;
	(pc) =	sbr.rel @p0 .LBB2_1-.Ltmp1, $3  }
0xc7: {  	_ =	sdelay $0x1  }
0xc8: {  	[sflag:s14] =	ssyncset.done $0x0  }
0xc9: {  	[sflag:s14] =	ssyncadd.s32 $0xFFFFD880  }
0xca: {  	_ =	sfence.sel $0x180000  }
0xcb: {  	[bflag:$0x0] =	sbarrier.arrive $0xFFFF  }
0xcc: {  	_ =	strace $0x9000004D  }
0xcd: {  	s0 =	stileid.u32;
	[bflag:$0x2] =	sbarrier.arrive $0xFFFF  }
0xce: {  	p0 =	sne.s32 s0, $0x0;
	s0 =	rddreg [dreg:$0x3]  }
0xcf: {  	s0 =	sadd.s32 @!p0 $0x100000, s0  }
0xd0: {  	[sflag:s0] =	ssyncadd.tile.s32 @!p0 $0x1;
	_ =	shalt  }
.Lfunc_end2:
_tile_overlayer_lowered:
.L_overlay_start_2:
0xd1: {  	(tag) =	ssettag $0x2  }
0xd2: {  	s0 =	rddreg [dreg:$0x0];
	s2 =	stileid.u32  }
0xd3: {  	s1 =	rddreg [dreg:$0x1];
	p0 =	sne.s32 s2, $0x0  }
0xd4: {  	s3 =	rddreg [dreg:$0x2];
	[bflag:$0x3] =	sbarrier.arrive $0xFFFF;
	s2 =	simm.s32 @!p0 $0x1C0A  }
0xd5: {  	[timem:s3], [sflag:s2] =	dma.local @!p0 [hbm:s0], s1  }
0xd6: {  	s0 =	simm.s32 @!p0 $0xA  }
0xd7: {  	_ =	swait.ge @!p0 [sflag:s0], s1  }
0xd8: {  	s1 =	ssub.s32 @!p0 $0x0, s1;
	[sflag:s0] =	ssyncset.done @!p0 $0x0  }
0xd9: {  	[sflag:s0] =	ssyncadd.s32 @!p0 s1  }
0xda: {  	[bflag:$0x3] =	sbarrier.arrive $0xFFFF  }
0xdb: {  	_ =	shalt  }

// kernel: kernel.9.cloned.1.call-start
scs
__scs_entry_jumppad:
0x0: {  	(pc) =	sbr.rel $0x88, $3  }
0x1: {  	(tag) =	ssettag $0x0;
	lr =	simm.s32 $0x1  }
0x2: {  	[smem:$0x3F99] =	sst lr;
	_ =	strace $0xD0000000  }
0x3: {  	_ = 	snop  }
0x4: {  	_ = 	snop  }
0x5: {  	_ = 	snop  }
0x6: {  	_ = 	snop  }
0x7: {  	_ = 	snop  }
__scs_overlays_trampoline_lowered:
0x8: {  	[smem:$0x3FA8] =	sst s0  }
0x9: {  	[smem:$0x3FA9] =	sst s1  }
0xa: {  	[smem:$0x3FAA] =	sst s2  }
0xb: {  	[smem:$0x3FAB] =	sst s3  }
0xc: {  	[smem:$0x3FAC] =	sst s4  }
0xd: {  	[smem:$0x3FAD] =	sst s5  }
0xe: {  	[smem:$0x3FAE] =	sst s6  }
0xf: {  	[smem:$0x3FAF] =	sst s7  }
0x10: {  	[smem:$0x3FB0] =	sst s8  }
0x11: {  	[smem:$0x3FB1] =	sst s9;
	s0 =	simm.s32 @!p0 $0x0  }
0x12: {  	s1 =	sld [smem:$0x3F97];
	s0 =	simm.s32 @p0 $0x1  }
0x13: {  	[smem:$0x3FB2] =	sst s0;
	s0 =	simm.s32 @!p1 $0x0  }
0x14: {  	s2 =	sld [smem:$0x3F96];
	s0 =	simm.s32 @p1 $0x1  }
0x15: {  	[smem:$0x3FB3] =	sst s0;
	s0 =	simm.s32 @!p2 $0x0  }
0x16: {  	s3 =	sld [smem:$0x3FDB];
	s0 =	simm.s32 @p2 $0x1  }
0x17: {  	s4 =	simm.s32 $0x1BF5;
	[smem:$0x3FB5] =	sst s0  }
0x18: {  	s0 =	sld [smem:$0x3F98];
	_ =	swait.ge [sflag:s4], $0x0  }
0x19: {  	s7 =	sld [smem:$0x3F99]  }
0x1a: {  	s8 =	sadd.s32 $0xFFFFE003, lr  }
0x1b: {  	s9 =	sadd.s32 $0xFFFFFEF7, lr;
	s5 =	simm.s32 $0xFFFFFFFF;
	p2 =	slt.u32 s8, $0xFFFFF086  }
0x1c: {  	p1 =	slt.u32 s9, $0xF7A;
	s5 =	simm.s32 @!p2 $0x0  }
0x1d: {  	s5 =	simm.s32 @p1 $0x1;
	p0 =	seq.s32 s7, s2  }
0x1e: {  	s7 =	smul.u32 @!p0 $0xF7A, s2;
	p2 =	seq.s32 @!p0 s5, $0x0  }
0x1f: {  	s9 =	smul.u32 $0xF7A, s1;
	s8 =	simm.s32 @!p0 $0x1BF5;
	p2 =	por !p2, p0  }
0x20: {  	[sflag:s8] =	ssyncset.s32 @!p0 $0xFFFFF086;
	s6 =	sadd.s32 @!p0 s3, s7;
	s7 =	simm.s32 @!p0 $0x108  }
0x21: {  	s3 =	sadd.s32 s3, s9;
	s6 =	sadd.s32 @!p0 $0x88, s6;
	s7 =	simm.s32 @p2 $0x1082  }
0x22: {  	[simem:s7], [sflag:s8] =	dma.local @!p0 [hbm:s6], $0xF7A  }
0x23: {  	s9 =	sor.u32 $0xD0000000, s2;
	s6 =	simm.s32 $0x108;
	_ =	swait.ge @!p0 [sflag:s8], $0x0  }
0x24: {  	s3 =	sadd.s32 $0x88, s3;
	s6 =	simm.s32 @!p1 $0x1082;
	[sflag:s4] =	ssyncset.s32 $0xFFFFF086  }
0x25: {  	[simem:s6], [sflag:s4] =	dma.local [hbm:s3], $0xF7A  }
0x26: {  	[smem:$0x3F99] =	sst s1;
	(tag) =	ssettag s2;
	_ =	strace s9  }
0x27: {  	s1 =	sld [smem:$0x3FA9]  }
0x28: {  	s2 =	sld [smem:$0x3FAA]  }
0x29: {  	s4 =	sld [smem:$0x3FAC]  }
0x2a: {  	p0 =	seq.s32 s5, $0x0;
	s5 =	sld [smem:$0x3FAD]  }
0x2b: {  	s6 =	sld [smem:$0x3FAE]  }
0x2c: {  	s7 =	sld [smem:$0x3FAF]  }
0x2d: {  	s3 =	simm.s32 $0x108;
	s8 =	sld [smem:$0x3FB0]  }
0x2e: {  	s3 =	simm.s32 @!p0 $0x1082;
	s9 =	sld [smem:$0x3FB1]  }
0x2f: {  	lr =	sadd.s32 s0, s3;
	s0 =	sld [smem:$0x3FA8]  }
0x30: {  	s3 =	sld [smem:$0x3FAB]  }
0x31: {  	[smem:$0x3FB4] =	sst s10  }
0x32: {  	s10 =	sld [smem:$0x3FB2];
	_ =	sdelay $0x3  }
0x33: {  	p0 =	seq.s32 s10, $0x1;
	s10 =	sld [smem:$0x3FB4];
	_ =	sdelay $0x3  }
0x34: {  	[smem:$0x3FB4] =	sst s10  }
0x35: {  	s10 =	sld [smem:$0x3FB3];
	_ =	sdelay $0x3  }
0x36: {  	p1 =	seq.s32 s10, $0x1;
	s10 =	sld [smem:$0x3FB4];
	_ =	sdelay $0x3  }
0x37: {  	[smem:$0x3FB4] =	sst s10  }
0x38: {  	s10 =	sld [smem:$0x3FB5]  }
0x39: {  	_ = 	snop;
	(pc) =	sbr.ind lr, $3  }
0x3a: {  	_ = 	snop  }
0x3b: {  	_ = 	snop  }
0x3c: {  	p2 =	seq.s32 s10, $0x1;
	s10 =	sld [smem:$0x3FB4]  }
0x3d: {  	_ =	shalt  }
0x3e: {  	_ =	shalt  }
0x3f: {  	_ =	shalt  }
0x40: {  	_ =	shalt  }
0x41: {  	_ =	shalt  }
0x42: {  	_ =	shalt  }
0x43: {  	_ =	shalt  }
0x44: {  	_ =	shalt  }
0x45: {  	_ =	shalt  }
0x46: {  	_ =	shalt  }
0x47: {  	_ =	shalt  }
0x48: {  	_ =	shalt  }
0x49: {  	_ =	shalt  }
0x4a: {  	_ =	shalt  }
0x4b: {  	_ =	shalt  }
0x4c: {  	_ =	shalt  }
0x4d: {  	_ =	shalt  }
0x4e: {  	_ =	shalt  }
0x4f: {  	_ =	shalt  }
0x50: {  	_ =	shalt  }
0x51: {  	_ =	shalt  }
0x52: {  	_ =	shalt  }
0x53: {  	_ =	shalt  }
0x54: {  	_ =	shalt  }
0x55: {  	_ =	shalt  }
0x56: {  	_ =	shalt  }
0x57: {  	_ =	shalt  }
0x58: {  	_ =	shalt  }
0x59: {  	_ =	shalt  }
0x5a: {  	_ =	shalt  }
0x5b: {  	_ =	shalt  }
0x5c: {  	_ =	shalt  }
0x5d: {  	_ =	shalt  }
0x5e: {  	_ =	shalt  }
0x5f: {  	_ =	shalt  }
0x60: {  	_ =	shalt  }
0x61: {  	_ =	shalt  }
0x62: {  	_ =	shalt  }
0x63: {  	_ =	shalt  }
0x64: {  	_ =	shalt  }
0x65: {  	_ =	shalt  }
0x66: {  	_ =	shalt  }
0x67: {  	_ =	shalt  }
0x68: {  	_ =	shalt  }
0x69: {  	_ =	shalt  }
0x6a: {  	_ =	shalt  }
0x6b: {  	_ =	shalt  }
0x6c: {  	_ =	shalt  }
0x6d: {  	_ =	shalt  }
0x6e: {  	_ =	shalt  }
0x6f: {  	_ =	shalt  }
0x70: {  	_ =	shalt  }
0x71: {  	_ =	shalt  }
0x72: {  	_ =	shalt  }
0x73: {  	_ =	shalt  }
0x74: {  	_ =	shalt  }
0x75: {  	_ =	shalt  }
0x76: {  	_ =	shalt  }
0x77: {  	_ =	shalt  }
0x78: {  	_ =	shalt  }
0x79: {  	_ =	shalt  }
0x7a: {  	_ =	shalt  }
0x7b: {  	_ =	shalt  }
0x7c: {  	_ =	shalt  }
0x7d: {  	_ =	shalt  }
0x7e: {  	_ =	shalt  }
0x7f: {  	_ =	shalt  }
0x80: {  	_ =	shalt  }
0x81: {  	_ =	shalt  }
0x82: {  	_ =	shalt  }
0x83: {  	_ =	shalt  }
0x84: {  	_ =	shalt  }
0x85: {  	_ =	shalt  }
0x86: {  	_ =	shalt  }
0x87: {  	_ =	shalt  }
.Lfunc_end0:
.L_simem_size_0:
called_computation_lowered:
.L_overlay_start_0:
0x88: {  	s2 =	sld [smem:$0x3FD9]  }
0x89: {  	s3 =	sld [smem:$0x3FFE];
	_ =	sdelay $0x1  }
0x8a: {  	s1 =	srdreg.scid  }
0x8b: {  	s0 =	sand.u32 $0x1, s1  }
0x8c: {  	s17 =	sshll.u32 s0, $0xA;
	s2 =	sadd.s32 s3, s2  }
0x8d: {  	s2 =	sadd.s32 s2, s17  }
0x8e: {  	[smem:$0x3FC0] =	sst s2  }
0x8f: {  	_ = 	snop  }
0x90: {  	s2 =	sld [smem:$0x3FD0];
	(tm) =	ssettm $0x1  }
0x91: {  	s18 =	sld [smem:$0x3FFB];
	_ =	sdelay $0x3  }
0x92: {  	_ =	strace s18  }
0x93: {  	s3 =	sld [smem:$0x3FFC];
	_ =	sdelay $0x3  }
0x94: {  	_ =	strace s3  }
0x95: {  	s3 =	sld [smem:$0x3FFD];
	_ =	sdelay $0x3  }
0x96: {  	_ =	strace s3  }
0x97: {  	_ =	strace $0x8FFFFFFF  }
0x98: {  	s19 =	sld [smem:$0x3FDB];
	_ =	sdelay $0x1  }
0x99: {  	s4 =	simm.s32 $_scs_section_size  }
0x9a: {  	s5 =	simm.s32 $_size__tile_overlayer_lowered;
	s6 =	simm.s32 $_tile_overlayer_lowered  }
0x9b: {  	s22 =	simm.s32 $0x1BFF;
	s21 =	sshll.u32 s6, $0x1;
	s3 =	sadd.s32 s4, s19  }
0x9c: {  	s7 =	simm.s32 $0x0;
	s20 =	sshll.u32 s5, $0x1;
	s5 =	sadd.s32 s21, s3  }
0x9d: {  	[timem:s7], [sflag:s22] =	dma.local [hbm:s5], s20  }
0x9e: {  	_ =	swait.ge [sflag:s22], s20  }
0x9f: {  	s4 =	ssub.s32 $0x0, s20;
	[sflag:s22] =	ssyncset.done $0x0  }
0xa0: {  	[sflag:s22] =	ssyncadd.s32 s4;
	_ =	sdelay $0x1  }
0xa1: {  	s23 =	simm.s32 $0x1B8B  }
0xa2: {  	_ =	swait.ge [sflag:s23], $0x1  }
0xa3: {  	[sflag:s23] =	ssyncset.done $0x0  }
0xa4: {  	s25 =	simm.s32 $0x1B8E;
	s24 =	sld [smem:$0x3FFE];
	[sflag:s23] =	ssyncadd.s32 $0xFFFFFFFF  }
0xa5: {  	s26 =	simm.s32 $execute0_lowered;
	[smem:$0x3FD2] =	sst s25  }
0xa6: {  	s5 =	sshll.u32 s26, $0x1;
	_ =	strace $0x80000046;
	[dreg:$0x1] =	wrdreg $0xFFFFFFFF  }
0xa7: {  	s28 =	simm.s32 $_size_execute0_lowered;
	s3 =	sadd.s32 s3, s5;
	[dreg:$0x0] =	wrdreg $0x0  }
0xa8: {  	s5 =	sshll.u32 s28, $0x1;
	[dreg:$0x2] =	wrdreg s3  }
0xa9: {  	[dreg:$0x3] =	wrdreg s5  }
0xaa: {  	[dreg:$0x4] =	wrdreg $0xC0  }
0xab: {  	_ =	task [dreg:s7], $0x5FFFF  }
0xac: {  	[dreg:$0x1] =	wrdreg $0xFFFFFFFF  }
0xad: {  	[dreg:$0x0] =	wrdreg $0x60  }
0xae: {  	[dreg:$0x2] =	wrdreg s2  }
0xaf: {  	[dreg:$0x3] =	wrdreg s24  }
0xb0: {  	[dreg:$0x4] =	wrdreg $0x41800  }
0xb1: {  	[dreg:$0x5] =	wrdreg $0x9  }
0xb2: {  	_ =	task.clear_ibuf [dreg:s7], $0x6FFFF;
	_ =	strace $0x90000046  }
0xb3: {  	s29 =	simm.s32 $0x9;
	_ =	strace $0x80000048  }
0xb4: {  	_ =	swait.ge [sflag:s29], $0x1  }
0xb5: {  	[sflag:s29] =	ssyncadd.s32 $0xFFFFFFFF  }
0xb6: {  	_ =	strace $0x90000048  }
0xb7: {  	_ =	sfence  }
0xb8: {  	s30 =	sld [smem:$0x0];
	_ =	sdelay $0x2  }
0xb9: {  	s31 =	sshll.u32 s1, $0xD;
	s1 =	sshrl.u32 s1, $0x2  }
0xba: {  	s3 =	sand.u32 $0x4000, s31;
	s1 =	sadd.s32 s1, s30  }
0xbb: {  	s0 =	sor.u32 s3, s0;
	s1 =	sshll.u32 s1, $0x11  }
0xbc: {  	s0 =	sor.u32 s1, s0  }
0xbd: {  	s0 =	sadd.s32 $0x8F2B, s0  }
0xbe: {  	[sflag:s0] =	ssyncadd.remote.s32 $0x1  }
0xbf: {  	_ =	sfence.sel $0xFFFF  }
0xc0: {  	[dreg:$0x0] =	wrdreg $0xFFFFFFFF;
	(pc) =	sbr.abs _section_cstart, $3  }
0xc1: {  	[dreg:$0x1] =	wrdreg $0xFFFFFFFF  }
0xc2: {  	_ =	task.clear_ibuf [dreg:s7], $0x2FFFF;
	_ =	strace $0x9FFFFFFF  }
0xc3: {  	(tm) =	ssettm $0x7FFFFFFF  }
tec
execute0_lowered:
.L_overlay_start_1:
0x0: {  	(tag) =	ssettag $0x1  }
0x1: {  	s1 =	rddreg [dreg:$0x0]  }
0x2: {  	s7 =	rddreg [dreg:$0x1]  }
0x3: {  	s2 =	rddreg [dreg:$0x2];
	s3 =	srdreg.scid  }
0x4: {  	s4 =	simm.s32 $0x0;
	s16 =	simm.s32 $0x7;
	s19 =	simm.s32 $0x80  }
0x5: {  	s20 =	simm.s32 $0x100;
	s21 =	simm.s32 $0x1;
	s8 =	sand.u32 $0x1, s3  }
0x6: {  	s22 =	simm.s32 $0x2;
	s3 =	stileid.u32;
	s6 =	smul.u32 $0x13C000, s8  }
0x7: {  	s23 =	simm.s32 $0x3;
	s28 =	simm.s32 $0x0;
	s9 =	smul.u32 $0x13C00, s3  }
0x8: {  	[smem:$0x7FF] =	sst s4;
	s5 =	sshll.u32 s8, $0x4;
	s11 =	smul.u32 $0x4F000, s3  }
0x9: {  	_ =	strace $0x80000047;
	s24 =	ssub.s32 $0x2, s8;
	s12 =	smul.u32 $0x28800, s8  }
0xa: {  	s13 =	smul.u32 $0x2880, s3;
	s17 =	sshll.u32 s3, $0x6;
	s10 =	sor.u32 s3, s5  }
0xb: {  	s5 =	sadd.s32 $0x3A00, s7;
	s25 =	sshrl.u32 s24, $0x1;
	s17 =	sor.u32 $0x1C07, s17  }
0xc: {  	s9 =	sadd.s32 s9, s6;
	s10 =	smul.u32 $0x2880, s10;
	s6 =	sadd.s32 $0x17E00, s7  }
0xd: {  	s14 =	ssub.s32 s24, s25;
	s26 =	sshrl.u32 s11, $0x2;
	s15 =	sadd.s32 s13, s12  }
0xe: {  	s24 =	simm.s32 $0x4;
	s25 =	simm.s32 $0x5;
	s9 =	sshrl.u32 s9, $0x3  }
0xf: {  	s18 =	sadd.s32 s26, s2;
	s29 =	sadd.s32 $0x280, s15;
	s12 =	sadd.s32 $0x200, s15  }
0x10: {  	s26 =	simm.s32 $0x6;
	s9 =	sadd.s32 s9, s7;
	s10 =	sshrl.u32 s10, $0x3  }
0x11: {  	s30 =	sshrl.u32 s29, $0x3;
	s31 =	sshrl.u32 s12, $0x3;
	s18 =	sshrl.u32 s18, $0x3  }
0x12: {  	s7 =	sadd.s32 s5, s10;
	s9 =	sadd.s32 $0x1A600, s9;
	s10 =	smax.u32 s14, $0x1  }
0x13: {  	s12 =	sadd.s32 s30, s5;
	s13 =	sadd.s32 s31, s5;
	s14 =	sadd.s32 $0x180, s15  }
0x14: {  	s15 =	simm.s32 $0x180;
	s8 =	sadd.s32 $0x10, s7;
	s11 =	sadd.s32 $0x20, s7  }
.LBB2_1:
0x15: {  	[tilespmem:s15], [sflag:$0x7] =	stream.linear.gather [hbm4b:s1+s4], $0x4000, $0x38;
	[tilespmem:$0x17D80] =	vst v63  }
0x16: {  	_ =	swait.ge [sflag:s16], $0x4000  }
0x17: {  	[sflag:s16] =	ssyncset.done $0x0  }
0x18: {  	[sflag:s16] =	ssyncadd.s32 $0xFFFFC000  }
0x19: {  	[spmem:s18], [sflag:s17] =	dma.local [hbm:s6], $0x2780  }
0x1a: {  	_ =	swait.ge [sflag:s16], $0x2780  }
0x1b: {  	[sflag:s16] =	ssyncset.done $0x0  }
0x1c: {  	[sflag:s16] =	ssyncadd.s32 $0xFFFFD880  }
0x1d: {  	[bflag:$0x0] =	sbarrier.arrive $0xFFFF  }
0x1e: {  	[tilespmem:s4], [sflag:$0x1] =	stream.linear.gather [hbm4b:s7+s4], $0x80, $0x38;
	[tilespmem:$0x17D80] =	vst v63  }
0x1f: {  	_ = 	snop  }
0x20: {  	[tilespmem:s19], [sflag:$0x2] =	stream.linear.gather [hbm4b:s8+s4], $0x80, $0x38;
	[tilespmem:$0x17D80] =	vst v63  }
0x21: {  	_ = 	snop  }
0x22: {  	[tilespmem:s20], [sflag:$0x3] =	stream.linear.gather [hbm4b:s11+s4], $0x80, $0x38;
	[tilespmem:$0x17D80] =	vst v63  }
0x23: {  	_ =	swait.ge [sflag:s21], $0x80  }
0x24: {  	[sflag:s21] =	ssyncset.done $0x0  }
0x25: {  	[sflag:s21] =	ssyncadd.s32 $0xFFFFFF80  }
0x26: {  	[spmem:s2] =	stream.indirect.scatter.add.f32 [tilespmem:s15], [sflag:$0x4], $0x80, s4, s19, $0xb8;
	[tilespmem:$0x17D80] =	vst v63  }
0x27: {  	_ =	swait.ge [sflag:s22], $0x80  }
0x28: {  	[sflag:s22] =	ssyncset.done $0x0  }
0x29: {  	[sflag:s22] =	ssyncadd.s32 $0xFFFFFF80  }
0x2a: {  	[spmem:s2] =	stream.indirect.scatter.add.f32 [tilespmem:s15], [sflag:$0x5], $0x80, s19, s19, $0xb8;
	[tilespmem:$0x17D80] =	vst v63  }
0x2b: {  	_ =	swait.ge [sflag:s23], $0x80  }
0x2c: {  	[sflag:s23] =	ssyncset.done $0x0  }
0x2d: {  	[sflag:s23] =	ssyncadd.s32 $0xFFFFFF80  }
0x2e: {  	[spmem:s2] =	stream.indirect.scatter.add.f32 [tilespmem:s15], [sflag:$0x6], $0x80, s20, s19, $0xb8;
	[tilespmem:$0x17D80] =	vst v63  }
0x2f: {  	_ =	swait.ge [sflag:s24], $0x4000  }
0x30: {  	s29 =	sshrl.u32 s14, $0x3;
	[sflag:s24] =	ssyncset.done $0x0  }
0x31: {  	s29 =	sadd.s32 s5, s29;
	[sflag:s24] =	ssyncadd.s32 $0xFFFFC000  }
0x32: {  	[tilespmem:s4], [sflag:$0x1] =	stream.linear.gather [hbm4b:s29+s4], $0x80, $0x38;
	[tilespmem:$0x17D80] =	vst v63  }
0x33: {  	_ =	swait.ge [sflag:s25], $0x4000  }
0x34: {  	[sflag:s25] =	ssyncset.done $0x0  }
0x35: {  	s29 =	sadd.s32 $0x0, s13;
	[sflag:s25] =	ssyncadd.s32 $0xFFFFC000  }
0x36: {  	[tilespmem:s19], [sflag:$0x2] =	stream.linear.gather [hbm4b:s29+s4], $0x80, $0x38;
	[tilespmem:$0x17D80] =	vst v63  }
0x37: {  	_ =	swait.ge [sflag:s26], $0x4000  }
0x38: {  	[sflag:s26] =	ssyncset.done $0x0  }
0x39: {  	s29 =	sadd.s32 $0x0, s12;
	[sflag:s26] =	ssyncadd.s32 $0xFFFFC000  }
0x3a: {  	[tilespmem:s20], [sflag:$0x3] =	stream.linear.gather [hbm4b:s29+s4], $0x80, $0x38;
	[tilespmem:$0x17D80] =	vst v63  }
0x3b: {  	_ =	swait.ge [sflag:s21], $0x80  }
0x3c: {  	[sflag:s21] =	ssyncset.done $0x0  }
0x3d: {  	[sflag:s21] =	ssyncadd.s32 $0xFFFFFF80  }
0x3e: {  	[spmem:s2] =	stream.indirect.scatter.add.f32 [tilespmem:s15], [sflag:$0x4], $0x80, s4, s19, $0xb8;
	[tilespmem:$0x17D80] =	vst v63  }
0x3f: {  	_ =	swait.ge [sflag:s22], $0x80  }
0x40: {  	[sflag:s22] =	ssyncset.done $0x0  }
0x41: {  	[sflag:s22] =	ssyncadd.s32 $0xFFFFFF80  }
0x42: {  	[spmem:s2] =	stream.indirect.scatter.add.f32 [tilespmem:s15], [sflag:$0x5], $0x80, s19, s19, $0xb8;
	[tilespmem:$0x17D80] =	vst v63  }
0x43: {  	_ =	swait.ge [sflag:s23], $0x80  }
0x44: {  	[sflag:s23] =	ssyncset.done $0x0  }
0x45: {  	s30 =	sadd.s32 $0x180, s14;
	s29 =	simm.s32 $0x30;
	[sflag:s23] =	ssyncadd.s32 $0xFFFFFF80  }
.LBB2_2:
0x46: {  	[spmem:s2] =	stream.indirect.scatter.add.f32 [tilespmem:s15], [sflag:$0x6], $0x80, s20, s19, $0xb8;
	[tilespmem:$0x17D80] =	vst v63  }
0x47: {  	s31 =	smov.u32 s29  }
0x48: {  	p0 =	sne.s32 s29, $0x4B0;
	s29 =	sadd.s32 $0x30, s29;
	_ =	swait.ge [sflag:s24], $0x4000  }
0x49: {  	s0 =	sshrl.u32 s30, $0x3;
	[sflag:s24] =	ssyncset.done $0x0  }
0x4a: {  	s0 =	sadd.s32 s5, s0;
	[sflag:s24] =	ssyncadd.s32 $0xFFFFC000  }
0x4b: {  	[tilespmem:s4], [sflag:$0x1] =	stream.linear.gather [hbm4b:s0+s4], $0x80, $0x38;
	[tilespmem:$0x17D80] =	vst v63  }
0x4c: {  	_ =	swait.ge [sflag:s25], $0x4000  }
0x4d: {  	[sflag:s25] =	ssyncset.done $0x0  }
0x4e: {  	s0 =	sadd.s32 s31, s13;
	[sflag:s25] =	ssyncadd.s32 $0xFFFFC000  }
0x4f: {  	[tilespmem:s19], [sflag:$0x2] =	stream.linear.gather [hbm4b:s0+s4], $0x80, $0x38;
	[tilespmem:$0x17D80] =	vst v63  }
0x50: {  	_ =	swait.ge [sflag:s26], $0x4000  }
0x51: {  	[sflag:s26] =	ssyncset.done $0x0  }
0x52: {  	s0 =	sadd.s32 s31, s12;
	[sflag:s26] =	ssyncadd.s32 $0xFFFFC000  }
0x53: {  	[tilespmem:s20], [sflag:$0x3] =	stream.linear.gather [hbm4b:s0+s4], $0x80, $0x38;
	[tilespmem:$0x17D80] =	vst v63  }
0x54: {  	_ =	swait.ge [sflag:s21], $0x80  }
0x55: {  	[sflag:s21] =	ssyncset.done $0x0  }
0x56: {  	[sflag:s21] =	ssyncadd.s32 $0xFFFFFF80  }
0x57: {  	[spmem:s2] =	stream.indirect.scatter.add.f32 [tilespmem:s15], [sflag:$0x4], $0x80, s4, s19, $0xb8;
	[tilespmem:$0x17D80] =	vst v63  }
0x58: {  	_ =	swait.ge [sflag:s22], $0x80  }
0x59: {  	[sflag:s22] =	ssyncset.done $0x0  }
.Ltmp0:
0x5a: {  	[sflag:s22] =	ssyncadd.s32 $0xFFFFFF80;
	(pc) =	sbr.rel @p0 .LBB2_2-.Ltmp0, $4  }
0x5b: {  	[spmem:s2] =	stream.indirect.scatter.add.f32 [tilespmem:s15], [sflag:$0x5], $0x80, s19, s19, $0xb8;
	[tilespmem:$0x17D80] =	vst v63  }
0x5c: {  	_ =	swait.ge [sflag:s23], $0x80  }
0x5d: {  	[sflag:s23] =	ssyncset.done $0x0  }
0x5e: {  	s30 =	sadd.s32 $0x180, s30;
	[sflag:s23] =	ssyncadd.s32 $0xFFFFFF80  }
0x5f: {  	[spmem:s2] =	stream.indirect.scatter.add.f32 [tilespmem:s15], [sflag:$0x6], $0x80, s20, s19, $0xb8;
	[tilespmem:$0x17D80] =	vst v63  }
0x60: {  	_ =	swait.ge [sflag:s24], $0x4000  }
0x61: {  	[sflag:s24] =	ssyncset.done $0x0  }
0x62: {  	[sflag:s24] =	ssyncadd.s32 $0xFFFFC000  }
0x63: {  	_ =	swait.ge [sflag:s25], $0x4000  }
0x64: {  	[sflag:s25] =	ssyncset.done $0x0  }
0x65: {  	[sflag:s25] =	ssyncadd.s32 $0xFFFFC000  }
0x66: {  	_ =	swait.ge [sflag:s26], $0x4000  }
0x67: {  	s28 =	sadd.s32 $0x1, s28;
	[sflag:s26] =	ssyncset.done $0x0  }
0x68: {  	p0 =	sne.s32 s28, s10;
	[sflag:s26] =	ssyncadd.s32 $0xFFFFC000  }
.Ltmp1:
0x69: {  	[bflag:$0x0] =	sbarrier.arrive $0xFFFF;
	(pc) =	sbr.rel @p0 .LBB2_1-.Ltmp1, $4  }
0x6a: {  	[hbm:s9], [sflag:s17] =	dma.local [spmem:s18], $0x2780  }
0x6b: {  	_ =	swait.ge [sflag:s16], $0x2780  }
0x6c: {  	[sflag:s16] =	ssyncset.done $0x0  }
0x6d: {  	[sflag:s16] =	ssyncadd.s32 $0xFFFFD880  }
0x6e: {  	_ =	sfence.sel $0x180000  }
0x6f: {  	[bflag:$0x0] =	sbarrier.arrive $0xFFFF  }
0x70: {  	_ =	strace $0x90000047  }
0x71: {  	[bflag:$0x2] =	sbarrier.arrive $0xFFFF  }
0x72: {  	p0 =	sne.s32 s3, $0x0;
	s0 =	rddreg [dreg:$0x3]  }
0x73: {  	s0 =	sadd.s32 @!p0 $0x100000, s0  }
0x74: {  	[sflag:s0] =	ssyncadd.tile.s32 @!p0 $0x1;
	_ =	shalt  }
.Lfunc_end2:
_tile_overlayer_lowered:
.L_overlay_start_2:
0x75: {  	(tag) =	ssettag $0x2  }
0x76: {  	s0 =	rddreg [dreg:$0x0];
	s2 =	stileid.u32  }
0x77: {  	s1 =	rddreg [dreg:$0x1];
	p0 =	sne.s32 s2, $0x0  }
0x78: {  	s3 =	rddreg [dreg:$0x2];
	[bflag:$0x3] =	sbarrier.arrive $0xFFFF;
	s2 =	simm.s32 @!p0 $0x1C07  }
0x79: {  	[timem:s3], [sflag:s2] =	dma.local @!p0 [hbm:s0], s1  }
0x7a: {  	s0 =	simm.s32 @!p0 $0x7  }
0x7b: {  	_ =	swait.ge @!p0 [sflag:s0], s1  }
0x7c: {  	s1 =	ssub.s32 @!p0 $0x0, s1;
	[sflag:s0] =	ssyncset.done @!p0 $0x0  }
0x7d: {  	[sflag:s0] =	ssyncadd.s32 @!p0 s1  }
0x7e: {  	[bflag:$0x3] =	sbarrier.arrive $0xFFFF  }
0x7f: {  	_ =	shalt  }

</sc_bundles>
